<compile_context>
chip_gen: v7x
topology: tpu7x:2x2x1
jax: 0.10.2.dev20260603
libtpu: 0.0.44.dev20260713+nightly
codegen_flags: <defaults>
</compile_context>

<pallas_src>
import jax
import jax.numpy as jnp
from jax import lax
from jax.experimental import pallas as pl
from jax.experimental.pallas import tpu as pltpu
from jax.experimental.pallas import tpu_sc as plsc

_N = 10000
_E = 320000
_F = 128
_G = 64
_NC = 2
_NS = 16
_NW = _NC * _NS
_CHUNK = 128
_CPW = -(-_E // (_NW * _CHUNK))
_EPAD = _NW * _CHUNK * _CPW
_RPS_PAD = 632
_NPAD = _NS * _RPS_PAD

def _sc_mesh():
    return plsc.VectorSubcoreMesh(core_axis_name="c", subcore_axis_name="s",
                                  num_cores=_NC, num_subcores=_NS)


def _agg_body(vals_hbm, src_hbm, dst_hbm, zeros_hbm, out_hbm,
              idx_s, idx_d, rows, acc, sem):
    c = lax.axis_index("c")
    s = lax.axis_index("s")
    pltpu.sync_copy(zeros_hbm.at[pl.ds(s * _RPS_PAD, _RPS_PAD), :],
                    acc.at[pl.ds(s * _RPS_PAD, _RPS_PAD), :])
    plsc.subcore_barrier()

    base = (c * _NS + s) * _CPW * _CHUNK

    @pl.loop(0, _CPW)
    def _(g):
        off = base + g * _CHUNK
        pltpu.sync_copy(src_hbm.at[pl.ds(off, _CHUNK)], idx_s)
        pltpu.sync_copy(dst_hbm.at[pl.ds(off, _CHUNK)], idx_d)
        pltpu.async_copy(vals_hbm.at[idx_s], rows, sem).wait()
        pltpu.sync_copy(rows, acc.at[idx_d], add=True)

    plsc.subcore_barrier()
    pltpu.sync_copy(acc.at[pl.ds(s * _RPS_PAD, _RPS_PAD), :],
                    out_hbm.at[c, pl.ds(s * _RPS_PAD, _RPS_PAD), :])


def _sc_aggregate(vals, src, dst, zeros):
    k = pl.kernel(
        _agg_body,
        out_type=jax.ShapeDtypeStruct((_NC, _NPAD, _F), jnp.float32),
        mesh=_sc_mesh(),
        scratch_types=[
            pltpu.VMEM((_CHUNK,), jnp.int32),
            pltpu.VMEM((_CHUNK,), jnp.int32),
            pltpu.VMEM((_CHUNK, _F), jnp.float32),
            pltpu.VMEM_SHARED((_NPAD, _F), jnp.float32),
            pltpu.SemaphoreType.DMA,
        ],
    )
    return k(vals, src, dst, zeros)


def _mlp1_body(x_ref, p_ref, w1a, b1a, g1, be1, w1b, b1b, o_ref):
    hin = x_ref[...] + p_ref[0, :_N, :] + p_ref[1, :_N, :]
    a = jnp.dot(hin, w1a[...], preferred_element_type=jnp.float32) + b1a[...]
    m = jnp.mean(a, axis=0, keepdims=True)
    v = jnp.mean(jnp.square(a - m), axis=0, keepdims=True)
    a = (a - m) * lax.rsqrt(v + 1e-5) * g1[...] + be1[...]
    a = jnp.maximum(a, 0.0)
    h = jnp.dot(a, w1b[...], preferred_element_type=jnp.float32) + b1b[...]
    o_ref[...] = jnp.maximum(h, 0.0)


def _mlp2_body(h_ref, q_ref, batch_ref, w2a, b2a, g2, be2, w2b, b2b,
               wc1, bc1, wc2, bc2, h2_ref, gr_ref, lg_ref):
    hin = h_ref[...] + q_ref[0, :_N, :] + q_ref[1, :_N, :]
    a = jnp.dot(hin, w2a[...], preferred_element_type=jnp.float32) + b2a[...]
    m = jnp.mean(a, axis=0, keepdims=True)
    v = jnp.mean(jnp.square(a - m), axis=0, keepdims=True)
    a = (a - m) * lax.rsqrt(v + 1e-5) * g2[...] + be2[...]
    a = jnp.maximum(a, 0.0)
    h2 = jnp.dot(a, w2b[...], preferred_element_type=jnp.float32) + b2b[...]
    h2_ref[...] = h2
    onehot = (batch_ref[...] ==
              lax.broadcasted_iota(jnp.int32, (1, _G), 1)).astype(jnp.float32)
    sums = lax.dot_general(onehot, h2, (((0,), (0,)), ((), ())),
                           preferred_element_type=jnp.float32)
    counts = lax.dot_general(onehot, jnp.ones((_N, 1), jnp.float32),
                             (((0,), (0,)), ((), ())),
                             preferred_element_type=jnp.float32)
    gr = sums / jnp.maximum(counts, 1.0)
    gr_ref[...] = gr
    z = jnp.maximum(
        jnp.dot(gr, wc1[...], preferred_element_type=jnp.float32) + bc1[...],
        0.0)
    lg_ref[...] = jnp.dot(z, wc2[...], preferred_element_type=jnp.float32) + bc2[...]


def _mlp1(x, p, W1a, b1a, bn1g, bn1b, W1b, b1b):
    return pl.pallas_call(
        _mlp1_body,
        out_shape=jax.ShapeDtypeStruct((_N, _F), jnp.float32),
    )(x, p, W1a, b1a.reshape(1, -1), bn1g.reshape(1, -1),
      bn1b.reshape(1, -1), W1b, b1b.reshape(1, -1))


def _mlp2(h, q, batch2d, W2a, b2a, bn2g, bn2b, W2b, b2b, Wc1, bc1, Wc2, bc2):
    return pl.pallas_call(
        _mlp2_body,
        out_shape=(
            jax.ShapeDtypeStruct((_N, _F), jnp.float32),
            jax.ShapeDtypeStruct((_G, _F), jnp.float32),
            jax.ShapeDtypeStruct((_G, 16), jnp.float32),
        ),
    )(h, q, batch2d, W2a, b2a.reshape(1, -1), bn2g.reshape(1, -1),
      bn2b.reshape(1, -1), W2b, b2b.reshape(1, -1), Wc1, bc1.reshape(1, -1),
      Wc2, bc2.reshape(1, -1))


def kernel(x, edge_index, edge_attr, batch,
           W1a, b1a, bn1g, bn1b, W1b, b1b,
           W2a, b2a, bn2g, bn2b, W2b, b2b,
           Wc1, bc1, Wc2, bc2):
    npad = _EPAD - _E
    src = jnp.concatenate([edge_index[0], jnp.zeros((npad,), jnp.int32)])
    dst = jnp.concatenate([edge_index[1], jnp.full((npad,), _N, jnp.int32)])
    zeros = jnp.zeros((_NPAD, _F), jnp.float32)

    p = _sc_aggregate(x, src, dst, zeros)
    h = _mlp1(x, p, W1a, b1a, bn1g, bn1b, W1b, b1b)
    q = _sc_aggregate(h, src, dst, zeros)
    h2, graph_reps, logits = _mlp2(h, q, batch.reshape(-1, 1),
                                   W2a, b2a, bn2g, bn2b, W2b, b2b,
                                   Wc1, bc1, Wc2, bc2)
    return (h2, graph_reps, logits)

# --- scband reference (transcript-rebuilt; emitter-appended) ---
"""Pipeline reference for scband-gin-27977416966474 (READ-ONLY COPY).

The authoritative reference and input builder live on the scoring server;
editing this copy changes nothing except your own understanding.
"""

import jax, jax.numpy as jnp
import numpy as np

N = 10000
E = 320000
F = 128
H = 128
D = 128
O = 16
G = 64


def setup_inputs(seed: int = 0) -> dict:
    key = jax.random.key(seed)
    ks = jax.random.split(key, 24)
    s = 0.05
    inp = {}
    inp["x"] = jax.random.normal(ks[0], (N, F), dtype=jnp.float32)
    inp["edge_index"] = jax.random.randint(ks[1], (2, E), 0, N, dtype=jnp.int32)
    inp["edge_attr"] = jax.random.normal(ks[2], (E, 16), dtype=jnp.float32)
    inp["batch"] = jnp.sort(jax.random.randint(ks[3], (N,), 0, G, dtype=jnp.int32))
    # gin1 MLP: Linear(F,H), BN(H), ReLU, Linear(H,H), ReLU
    inp["W1a"] = jax.random.normal(ks[4], (F, H), dtype=jnp.float32) * s
    inp["b1a"] = jnp.zeros((H,), dtype=jnp.float32)
    inp["bn1g"] = jnp.ones((H,), dtype=jnp.float32)
    inp["bn1b"] = jnp.zeros((H,), dtype=jnp.float32)
    inp["W1b"] = jax.random.normal(ks[5], (H, H), dtype=jnp.float32) * s
    inp["b1b"] = jnp.zeros((H,), dtype=jnp.float32)
    # gin2 MLP: Linear(H,H), BN(H), ReLU, Linear(H,D)
    inp["W2a"] = jax.random.normal(ks[6], (H, H), dtype=jnp.float32) * s
    inp["b2a"] = jnp.zeros((H,), dtype=jnp.float32)
    inp["bn2g"] = jnp.ones((H,), dtype=jnp.float32)
    inp["bn2b"] = jnp.zeros((H,), dtype=jnp.float32)
    inp["W2b"] = jax.random.normal(ks[7], (H, D), dtype=jnp.float32) * s
    inp["b2b"] = jnp.zeros((D,), dtype=jnp.float32)
    # classifier: Linear(D,D), ReLU, Linear(D,O)
    inp["Wc1"] = jax.random.normal(ks[8], (D, D), dtype=jnp.float32) * s
    inp["bc1"] = jnp.zeros((D,), dtype=jnp.float32)
    inp["Wc2"] = jax.random.normal(ks[9], (D, O), dtype=jnp.float32) * s
    inp["bc2"] = jnp.zeros((O,), dtype=jnp.float32)
    return inp


def _bn(h, g, b):
    m = h.mean(axis=0)
    v = h.var(axis=0)
    return (h - m) / jnp.sqrt(v + 1e-5) * g + b


def reference(x, edge_index, edge_attr, batch, W1a, b1a, bn1g, bn1b, W1b, b1b, W2a, b2a, bn2g, bn2b, W2b, b2b, Wc1, bc1, Wc2, bc2):
    src = edge_index[0]
    dst = edge_index[1]
    # GINConv layer 1: (1+eps)*x + sum of neighbor messages (eps=0)
    agg = jnp.zeros_like(x).at[dst].add(x[src])
    h = x + agg
    h = h @ W1a + b1a
    h = _bn(h, bn1g, bn1b)
    h = jax.nn.relu(h)
    h = h @ W1b + b1b
    h = jax.nn.relu(h)
    # GINConv layer 2
    agg2 = jnp.zeros_like(h).at[dst].add(h[src])
    h2 = h + agg2
    h2 = h2 @ W2a + b2a
    h2 = _bn(h2, bn2g, bn2b)
    h2 = jax.nn.relu(h2)
    h2 = h2 @ W2b + b2b
    # global mean pool over batch segments
    sums = jax.ops.segment_sum(h2, batch, num_segments=G)
    counts = jax.ops.segment_sum(jnp.ones((N,), dtype=jnp.float32), batch, num_segments=G)
    graph_reps = sums / jnp.maximum(counts, 1.0)[:, None]
    # classifier
    logits = jax.nn.relu(graph_reps @ Wc1 + bc1) @ Wc2 + bc2
    return (h2, graph_reps, logits)

if __name__ == "__main__":
    import jax
    _d = setup_inputs()
    print(jax.jit(kernel)(*tuple(_d.values())))

</pallas_src>

<mosaic_0001>
#map = affine_map<(d0, d1) -> (0, 0)>
#map1 = affine_map<(d0, d1) -> (0)>
#map2 = affine_map<(d0, d1) -> (0, 0, 0)>
module attributes {stable_mosaic.version = 14 : i64} {
  func.func @_agg_body(%arg0: i32, %arg1: i32, %arg2: memref<10000x128xf32, #tpu.memory_space<hbm>>, %arg3: memref<323584xi32, #tpu.memory_space<hbm>>, %arg4: memref<323584xi32, #tpu.memory_space<hbm>>, %arg5: memref<10112x128xf32, #tpu.memory_space<hbm>>, %arg6: memref<2x10112x128xf32, #tpu.memory_space<hbm>>, %arg7: memref<128xi32, #tpu.memory_space<vmem>>, %arg8: memref<128xi32, #tpu.memory_space<vmem>>, %arg9: memref<128x128xf32, #tpu.memory_space<vmem>>, %arg10: memref<10112x128xf32, #tpu.memory_space<vmem_shared>>, %arg11: memref<!tpu.dma_semaphore, #tpu.memory_space<semaphore_mem>>) attributes {dimension_semantics = [#tpu.dimension_semantics<core_parallel>, #tpu.dimension_semantics<subcore_parallel>], iteration_bounds = array<i64: 2, 16>, scalar_prefetch = 0 : i64, scratch_operands = 5 : i64, tpu.core_type = #tpu.core_type<sc_vector_subcore>, window_params = [{transform_indices = #map}, {transform_indices = #map1}, {transform_indices = #map1}, {transform_indices = #map}, {transform_indices = #map2}]} {
    %mul3A = arith.constant 632 : i32
    %mul3A_0 = arith.muli %arg1, %mul3A : i32
    %mul3A_1 = arith.constant 632 : i32
    %mul3A_2 = arith.muli %arg1, %mul3A_1 : i32
    "tpu.region"() ({
      %run_scoped3A = tpu.sem_alloc : memref<!tpu.dma_semaphore, #tpu.memory_space<semaphore_mem>>
      %dma_start3A = arith.constant 0 : i32
      %dma_start3A_18 = tpu.memref_slice %arg10[%mul3A_2, %dma_start3A] : memref<10112x128xf32, #tpu.memory_space<vmem_shared>> -> memref<632x128xf32, #tpu.memory_space<vmem_shared>>
      %dma_start3A_19 = arith.constant 0 : i32
      %dma_start3A_20 = tpu.memref_slice %arg5[%mul3A_0, %dma_start3A_19] : memref<10112x128xf32, #tpu.memory_space<hbm>> -> memref<632x128xf32, #tpu.memory_space<hbm>>
      tpu.enqueue_dma source(%dma_start3A_20 : memref<632x128xf32, #tpu.memory_space<hbm>>) target(%dma_start3A_18 : memref<632x128xf32, #tpu.memory_space<vmem_shared>>) target_semaphore(%run_scoped3A : memref<!tpu.dma_semaphore, #tpu.memory_space<semaphore_mem>>)
      %dma_wait3A = arith.constant 0 : i32
      %dma_wait3A_21 = tpu.memref_slice %arg10[%mul3A_2, %dma_wait3A] : memref<10112x128xf32, #tpu.memory_space<vmem_shared>> -> memref<632x128xf32, #tpu.memory_space<vmem_shared>>
      %dma_wait3A_22 = arith.constant 0 : i32
      %dma_wait3A_23 = tpu.memref_slice %arg5[%mul3A_0, %dma_wait3A_22] : memref<10112x128xf32, #tpu.memory_space<hbm>> -> memref<632x128xf32, #tpu.memory_space<hbm>>
      tpu.wait_dma2 semaphore(%run_scoped3A : memref<!tpu.dma_semaphore, #tpu.memory_space<semaphore_mem>>) src(%dma_wait3A_23 : memref<632x128xf32, #tpu.memory_space<hbm>>) dst(%dma_wait3A_21 : memref<632x128xf32, #tpu.memory_space<vmem_shared>>)
      tpu.yield
    }) : () -> ()
    %barrier3A = arith.constant 0 : index
    tpu.barrier barrier_id(%barrier3A)
    %mul3A_3 = arith.constant 16 : i32
    %mul3A_4 = arith.muli %arg0, %mul3A_3 : i32
    %add3A = arith.addi %mul3A_4, %arg1 : i32
    %mul3A_5 = arith.constant 79 : i32
    %mul3A_6 = arith.muli %add3A, %mul3A_5 : i32
    %mul3A_7 = arith.constant 128 : i32
    %mul3A_8 = arith.muli %mul3A_6, %mul3A_7 : i32
    %scan3A = arith.constant 0 : i32
    %scan3A_9 = arith.constant 79 : i32
    %scan3A_10 = arith.addi %scan3A, %scan3A_9 : i32
    %scan3A_11 = arith.constant 1 : i32
    scf.for %scan3A_18 = %scan3A to %scan3A_10 step %scan3A_11  : i32 {
      %mul3A_19 = arith.constant 1 : i32
      %mul3A_20 = arith.muli %scan3A_18, %mul3A_19 : i32
      %add3A_21 = arith.constant 0 : i32
      %add3A_22 = arith.addi %add3A_21, %mul3A_20 : i32
      %mul3A_23 = arith.constant 128 : i32
      %mul3A_24 = arith.muli %add3A_22, %mul3A_23 : i32
      %add3A_25 = arith.addi %mul3A_8, %mul3A_24 : i32
      "tpu.region"() ({
        %run_scoped3A = tpu.sem_alloc : memref<!tpu.dma_semaphore, #tpu.memory_space<semaphore_mem>>
        %dma_start3A_30 = tpu.memref_slice %arg3[%add3A_25] : memref<323584xi32, #tpu.memory_space<hbm>> -> memref<128xi32, #tpu.memory_space<hbm>>
        %dma_start3A_31 = tpu.memref_slice %arg3[%add3A_25] : memref<323584xi32, #tpu.memory_space<hbm>> -> memref<128xi32, #tpu.memory_space<hbm>>
        tpu.enqueue_dma source(%dma_start3A_31 : memref<128xi32, #tpu.memory_space<hbm>>) target(%arg7 : memref<128xi32, #tpu.memory_space<vmem>>) target_semaphore(%run_scoped3A : memref<!tpu.dma_semaphore, #tpu.memory_space<semaphore_mem>>)
        %dma_wait3A_32 = tpu.memref_slice %arg3[%add3A_25] : memref<323584xi32, #tpu.memory_space<hbm>> -> memref<128xi32, #tpu.memory_space<hbm>>
        %dma_wait3A_33 = tpu.memref_slice %arg3[%add3A_25] : memref<323584xi32, #tpu.memory_space<hbm>> -> memref<128xi32, #tpu.memory_space<hbm>>
        tpu.wait_dma2 semaphore(%run_scoped3A : memref<!tpu.dma_semaphore, #tpu.memory_space<semaphore_mem>>) src(%dma_wait3A_33 : memref<128xi32, #tpu.memory_space<hbm>>) dst(%arg7 : memref<128xi32, #tpu.memory_space<vmem>>)
        tpu.yield
      }) : () -> ()
      "tpu.region"() ({
        %run_scoped3A = tpu.sem_alloc : memref<!tpu.dma_semaphore, #tpu.memory_space<semaphore_mem>>
        %dma_start3A_30 = tpu.memref_slice %arg4[%add3A_25] : memref<323584xi32, #tpu.memory_space<hbm>> -> memref<128xi32, #tpu.memory_space<hbm>>
        %dma_start3A_31 = tpu.memref_slice %arg4[%add3A_25] : memref<323584xi32, #tpu.memory_space<hbm>> -> memref<128xi32, #tpu.memory_space<hbm>>
        tpu.enqueue_dma source(%dma_start3A_31 : memref<128xi32, #tpu.memory_space<hbm>>) target(%arg8 : memref<128xi32, #tpu.memory_space<vmem>>) target_semaphore(%run_scoped3A : memref<!tpu.dma_semaphore, #tpu.memory_space<semaphore_mem>>)
        %dma_wait3A_32 = tpu.memref_slice %arg4[%add3A_25] : memref<323584xi32, #tpu.memory_space<hbm>> -> memref<128xi32, #tpu.memory_space<hbm>>
        %dma_wait3A_33 = tpu.memref_slice %arg4[%add3A_25] : memref<323584xi32, #tpu.memory_space<hbm>> -> memref<128xi32, #tpu.memory_space<hbm>>
        tpu.wait_dma2 semaphore(%run_scoped3A : memref<!tpu.dma_semaphore, #tpu.memory_space<semaphore_mem>>) src(%dma_wait3A_33 : memref<128xi32, #tpu.memory_space<hbm>>) dst(%arg8 : memref<128xi32, #tpu.memory_space<vmem>>)
        tpu.yield
      }) : () -> ()
      %dma_start3A = arith.constant 0 : i32
      %dma_start3A_26 = arith.constant 0 : i32
      %dma_start3A_27 = tpu.memref_slice %arg2[%dma_start3A, %dma_start3A_26] : memref<10000x128xf32, #tpu.memory_space<hbm>> -> memref<10000x128xf32, #tpu.memory_space<hbm>>
      tpu.enqueue_indirect_dma source(%dma_start3A_27 : memref<10000x128xf32, #tpu.memory_space<hbm>>) target(%arg9 : memref<128x128xf32, #tpu.memory_space<vmem>>) offsets(%arg7 : memref<128xi32, #tpu.memory_space<vmem>>) semaphore(%arg11 : memref<!tpu.dma_semaphore, #tpu.memory_space<semaphore_mem>>)
      %dma_wait3A = arith.constant 0 : i32
      %dma_wait3A_28 = arith.constant 0 : i32
      %dma_wait3A_29 = tpu.memref_slice %arg2[%dma_wait3A, %dma_wait3A_28] : memref<10000x128xf32, #tpu.memory_space<hbm>> -> memref<10000x128xf32, #tpu.memory_space<hbm>>
      tpu.wait_indirect_dma semaphore(%arg11 : memref<!tpu.dma_semaphore, #tpu.memory_space<semaphore_mem>>) src(%dma_wait3A_29 : memref<10000x128xf32, #tpu.memory_space<hbm>>) dst(%arg9 : memref<128x128xf32, #tpu.memory_space<vmem>>)
      "tpu.region"() ({
        %run_scoped3A = tpu.sem_alloc : memref<!tpu.dma_semaphore, #tpu.memory_space<semaphore_mem>>
        %dma_start3A_30 = arith.constant 0 : i32
        %dma_start3A_31 = arith.constant 0 : i32
        %dma_start3A_32 = tpu.memref_slice %arg10[%dma_start3A_30, %dma_start3A_31] : memref<10112x128xf32, #tpu.memory_space<vmem_shared>> -> memref<10112x128xf32, #tpu.memory_space<vmem_shared>>
        tpu.enqueue_indirect_dma source(%arg9 : memref<128x128xf32, #tpu.memory_space<vmem>>) target(%dma_start3A_32 : memref<10112x128xf32, #tpu.memory_space<vmem_shared>>) offsets(%arg8 : memref<128xi32, #tpu.memory_space<vmem>>) semaphore(%run_scoped3A : memref<!tpu.dma_semaphore, #tpu.memory_space<semaphore_mem>>) {add = true}
        %dma_wait3A_33 = arith.constant 0 : i32
        %dma_wait3A_34 = arith.constant 0 : i32
        %dma_wait3A_35 = tpu.memref_slice %arg10[%dma_wait3A_33, %dma_wait3A_34] : memref<10112x128xf32, #tpu.memory_space<vmem_shared>> -> memref<10112x128xf32, #tpu.memory_space<vmem_shared>>
        tpu.wait_indirect_dma semaphore(%run_scoped3A : memref<!tpu.dma_semaphore, #tpu.memory_space<semaphore_mem>>) src(%arg9 : memref<128x128xf32, #tpu.memory_space<vmem>>) dst(%dma_wait3A_35 : memref<10112x128xf32, #tpu.memory_space<vmem_shared>>)
        tpu.yield
      }) : () -> ()
    }
    %scan3A_12 = arith.constant 79 : i32
    %barrier3A_13 = arith.constant 0 : index
    tpu.barrier barrier_id(%barrier3A_13)
    %mul3A_14 = arith.constant 632 : i32
    %mul3A_15 = arith.muli %arg1, %mul3A_14 : i32
    %mul3A_16 = arith.constant 632 : i32
    %mul3A_17 = arith.muli %arg1, %mul3A_16 : i32
    "tpu.region"() ({
      %run_scoped3A = tpu.sem_alloc : memref<!tpu.dma_semaphore, #tpu.memory_space<semaphore_mem>>
      %dma_start3A = arith.constant 0 : i32
      %dma_start3A_18 = tpu.memref_slice %arg6[%arg0, %mul3A_17, %dma_start3A] : memref<2x10112x128xf32, #tpu.memory_space<hbm>> -> memref<1x632x128xf32, #tpu.memory_space<hbm>>
      %dma_start3A_19 = tpu.memref_squeeze %dma_start3A_18 : memref<1x632x128xf32, #tpu.memory_space<hbm>> -> memref<632x128xf32, #tpu.memory_space<hbm>>
      %dma_start3A_20 = arith.constant 0 : i32
      %dma_start3A_21 = tpu.memref_slice %arg10[%mul3A_15, %dma_start3A_20] : memref<10112x128xf32, #tpu.memory_space<vmem_shared>> -> memref<632x128xf32, #tpu.memory_space<vmem_shared>>
      tpu.enqueue_dma source(%dma_start3A_21 : memref<632x128xf32, #tpu.memory_space<vmem_shared>>) target(%dma_start3A_19 : memref<632x128xf32, #tpu.memory_space<hbm>>) target_semaphore(%run_scoped3A : memref<!tpu.dma_semaphore, #tpu.memory_space<semaphore_mem>>)
      %dma_wait3A = arith.constant 0 : i32
      %dma_wait3A_22 = tpu.memref_slice %arg6[%arg0, %mul3A_17, %dma_wait3A] : memref<2x10112x128xf32, #tpu.memory_space<hbm>> -> memref<1x632x128xf32, #tpu.memory_space<hbm>>
      %dma_wait3A_23 = tpu.memref_squeeze %dma_wait3A_22 : memref<1x632x128xf32, #tpu.memory_space<hbm>> -> memref<632x128xf32, #tpu.memory_space<hbm>>
      %dma_wait3A_24 = arith.constant 0 : i32
      %dma_wait3A_25 = tpu.memref_slice %arg10[%mul3A_15, %dma_wait3A_24] : memref<10112x128xf32, #tpu.memory_space<vmem_shared>> -> memref<632x128xf32, #tpu.memory_space<vmem_shared>>
      tpu.wait_dma2 semaphore(%run_scoped3A : memref<!tpu.dma_semaphore, #tpu.memory_space<semaphore_mem>>) src(%dma_wait3A_25 : memref<632x128xf32, #tpu.memory_space<vmem_shared>>) dst(%dma_wait3A_23 : memref<632x128xf32, #tpu.memory_space<hbm>>)
      tpu.yield
    }) : () -> ()
    return
  }
}

#map = affine_map<(d0, d1) -> (0, 0)>
#map1 = affine_map<(d0, d1) -> (0)>
#map2 = affine_map<(d0, d1) -> (0, 0, 0)>
module attributes {stable_mosaic.version = 14 : i64} {
  func.func @_agg_body(%arg0: i32, %arg1: i32, %arg2: memref<10000x128xf32, #tpu.memory_space<hbm>>, %arg3: memref<323584xi32, #tpu.memory_space<hbm>>, %arg4: memref<323584xi32, #tpu.memory_space<hbm>>, %arg5: memref<10112x128xf32, #tpu.memory_space<hbm>>, %arg6: memref<2x10112x128xf32, #tpu.memory_space<hbm>>, %arg7: memref<128xi32, #tpu.memory_space<vmem>>, %arg8: memref<128xi32, #tpu.memory_space<vmem>>, %arg9: memref<128x128xf32, #tpu.memory_space<vmem>>, %arg10: memref<10112x128xf32, #tpu.memory_space<vmem_shared>>, %arg11: memref<!tpu.dma_semaphore, #tpu.memory_space<semaphore_mem>>) attributes {dimension_semantics = [#tpu.dimension_semantics<core_parallel>, #tpu.dimension_semantics<subcore_parallel>], iteration_bounds = array<i64: 2, 16>, scalar_prefetch = 0 : i64, scratch_operands = 5 : i64, tpu.core_type = #tpu.core_type<sc_vector_subcore>, window_params = [{transform_indices = #map}, {transform_indices = #map1}, {transform_indices = #map1}, {transform_indices = #map}, {transform_indices = #map2}]} {
    %mul3A = arith.constant 632 : i32
    %mul3A_0 = arith.muli %arg1, %mul3A : i32
    %mul3A_1 = arith.constant 632 : i32
    %mul3A_2 = arith.muli %arg1, %mul3A_1 : i32
    "tpu.region"() ({
      %run_scoped3A = tpu.sem_alloc : memref<!tpu.dma_semaphore, #tpu.memory_space<semaphore_mem>>
      %dma_start3A = arith.constant 0 : i32
      %dma_start3A_18 = tpu.memref_slice %arg10[%mul3A_2, %dma_start3A] : memref<10112x128xf32, #tpu.memory_space<vmem_shared>> -> memref<632x128xf32, #tpu.memory_space<vmem_shared>>
      %dma_start3A_19 = arith.constant 0 : i32
      %dma_start3A_20 = tpu.memref_slice %arg5[%mul3A_0, %dma_start3A_19] : memref<10112x128xf32, #tpu.memory_space<hbm>> -> memref<632x128xf32, #tpu.memory_space<hbm>>
      tpu.enqueue_dma source(%dma_start3A_20 : memref<632x128xf32, #tpu.memory_space<hbm>>) target(%dma_start3A_18 : memref<632x128xf32, #tpu.memory_space<vmem_shared>>) target_semaphore(%run_scoped3A : memref<!tpu.dma_semaphore, #tpu.memory_space<semaphore_mem>>)
      %dma_wait3A = arith.constant 0 : i32
      %dma_wait3A_21 = tpu.memref_slice %arg10[%mul3A_2, %dma_wait3A] : memref<10112x128xf32, #tpu.memory_space<vmem_shared>> -> memref<632x128xf32, #tpu.memory_space<vmem_shared>>
      %dma_wait3A_22 = arith.constant 0 : i32
      %dma_wait3A_23 = tpu.memref_slice %arg5[%mul3A_0, %dma_wait3A_22] : memref<10112x128xf32, #tpu.memory_space<hbm>> -> memref<632x128xf32, #tpu.memory_space<hbm>>
      tpu.wait_dma2 semaphore(%run_scoped3A : memref<!tpu.dma_semaphore, #tpu.memory_space<semaphore_mem>>) src(%dma_wait3A_23 : memref<632x128xf32, #tpu.memory_space<hbm>>) dst(%dma_wait3A_21 : memref<632x128xf32, #tpu.memory_space<vmem_shared>>)
      tpu.yield
    }) : () -> ()
    %barrier3A = arith.constant 0 : index
    tpu.barrier barrier_id(%barrier3A)
    %mul3A_3 = arith.constant 16 : i32
    %mul3A_4 = arith.muli %arg0, %mul3A_3 : i32
    %add3A = arith.addi %mul3A_4, %arg1 : i32
    %mul3A_5 = arith.constant 79 : i32
    %mul3A_6 = arith.muli %add3A, %mul3A_5 : i32
    %mul3A_7 = arith.constant 128 : i32
    %mul3A_8 = arith.muli %mul3A_6, %mul3A_7 : i32
    %scan3A = arith.constant 0 : i32
    %scan3A_9 = arith.constant 79 : i32
    %scan3A_10 = arith.addi %scan3A, %scan3A_9 : i32
    %scan3A_11 = arith.constant 1 : i32
    scf.for %scan3A_18 = %scan3A to %scan3A_10 step %scan3A_11  : i32 {
      %mul3A_19 = arith.constant 1 : i32
      %mul3A_20 = arith.muli %scan3A_18, %mul3A_19 : i32
      %add3A_21 = arith.constant 0 : i32
      %add3A_22 = arith.addi %add3A_21, %mul3A_20 : i32
      %mul3A_23 = arith.constant 128 : i32
      %mul3A_24 = arith.muli %add3A_22, %mul3A_23 : i32
      %add3A_25 = arith.addi %mul3A_8, %mul3A_24 : i32
      "tpu.region"() ({
        %run_scoped3A = tpu.sem_alloc : memref<!tpu.dma_semaphore, #tpu.memory_space<semaphore_mem>>
        %dma_start3A_30 = tpu.memref_slice %arg3[%add3A_25] : memref<323584xi32, #tpu.memory_space<hbm>> -> memref<128xi32, #tpu.memory_space<hbm>>
        %dma_start3A_31 = tpu.memref_slice %arg3[%add3A_25] : memref<323584xi32, #tpu.memory_space<hbm>> -> memref<128xi32, #tpu.memory_space<hbm>>
        tpu.enqueue_dma source(%dma_start3A_31 : memref<128xi32, #tpu.memory_space<hbm>>) target(%arg7 : memref<128xi32, #tpu.memory_space<vmem>>) target_semaphore(%run_scoped3A : memref<!tpu.dma_semaphore, #tpu.memory_space<semaphore_mem>>)
        %dma_wait3A_32 = tpu.memref_slice %arg3[%add3A_25] : memref<323584xi32, #tpu.memory_space<hbm>> -> memref<128xi32, #tpu.memory_space<hbm>>
        %dma_wait3A_33 = tpu.memref_slice %arg3[%add3A_25] : memref<323584xi32, #tpu.memory_space<hbm>> -> memref<128xi32, #tpu.memory_space<hbm>>
        tpu.wait_dma2 semaphore(%run_scoped3A : memref<!tpu.dma_semaphore, #tpu.memory_space<semaphore_mem>>) src(%dma_wait3A_33 : memref<128xi32, #tpu.memory_space<hbm>>) dst(%arg7 : memref<128xi32, #tpu.memory_space<vmem>>)
        tpu.yield
      }) : () -> ()
      "tpu.region"() ({
        %run_scoped3A = tpu.sem_alloc : memref<!tpu.dma_semaphore, #tpu.memory_space<semaphore_mem>>
        %dma_start3A_30 = tpu.memref_slice %arg4[%add3A_25] : memref<323584xi32, #tpu.memory_space<hbm>> -> memref<128xi32, #tpu.memory_space<hbm>>
        %dma_start3A_31 = tpu.memref_slice %arg4[%add3A_25] : memref<323584xi32, #tpu.memory_space<hbm>> -> memref<128xi32, #tpu.memory_space<hbm>>
        tpu.enqueue_dma source(%dma_start3A_31 : memref<128xi32, #tpu.memory_space<hbm>>) target(%arg8 : memref<128xi32, #tpu.memory_space<vmem>>) target_semaphore(%run_scoped3A : memref<!tpu.dma_semaphore, #tpu.memory_space<semaphore_mem>>)
        %dma_wait3A_32 = tpu.memref_slice %arg4[%add3A_25] : memref<323584xi32, #tpu.memory_space<hbm>> -> memref<128xi32, #tpu.memory_space<hbm>>
        %dma_wait3A_33 = tpu.memref_slice %arg4[%add3A_25] : memref<323584xi32, #tpu.memory_space<hbm>> -> memref<128xi32, #tpu.memory_space<hbm>>
        tpu.wait_dma2 semaphore(%run_scoped3A : memref<!tpu.dma_semaphore, #tpu.memory_space<semaphore_mem>>) src(%dma_wait3A_33 : memref<128xi32, #tpu.memory_space<hbm>>) dst(%arg8 : memref<128xi32, #tpu.memory_space<vmem>>)
        tpu.yield
      }) : () -> ()
      %dma_start3A = arith.constant 0 : i32
      %dma_start3A_26 = arith.constant 0 : i32
      %dma_start3A_27 = tpu.memref_slice %arg2[%dma_start3A, %dma_start3A_26] : memref<10000x128xf32, #tpu.memory_space<hbm>> -> memref<10000x128xf32, #tpu.memory_space<hbm>>
      tpu.enqueue_indirect_dma source(%dma_start3A_27 : memref<10000x128xf32, #tpu.memory_space<hbm>>) target(%arg9 : memref<128x128xf32, #tpu.memory_space<vmem>>) offsets(%arg7 : memref<128xi32, #tpu.memory_space<vmem>>) semaphore(%arg11 : memref<!tpu.dma_semaphore, #tpu.memory_space<semaphore_mem>>)
      %dma_wait3A = arith.constant 0 : i32
      %dma_wait3A_28 = arith.constant 0 : i32
      %dma_wait3A_29 = tpu.memref_slice %arg2[%dma_wait3A, %dma_wait3A_28] : memref<10000x128xf32, #tpu.memory_space<hbm>> -> memref<10000x128xf32, #tpu.memory_space<hbm>>
      tpu.wait_indirect_dma semaphore(%arg11 : memref<!tpu.dma_semaphore, #tpu.memory_space<semaphore_mem>>) src(%dma_wait3A_29 : memref<10000x128xf32, #tpu.memory_space<hbm>>) dst(%arg9 : memref<128x128xf32, #tpu.memory_space<vmem>>)
      "tpu.region"() ({
        %run_scoped3A = tpu.sem_alloc : memref<!tpu.dma_semaphore, #tpu.memory_space<semaphore_mem>>
        %dma_start3A_30 = arith.constant 0 : i32
        %dma_start3A_31 = arith.constant 0 : i32
        %dma_start3A_32 = tpu.memref_slice %arg10[%dma_start3A_30, %dma_start3A_31] : memref<10112x128xf32, #tpu.memory_space<vmem_shared>> -> memref<10112x128xf32, #tpu.memory_space<vmem_shared>>
        tpu.enqueue_indirect_dma source(%arg9 : memref<128x128xf32, #tpu.memory_space<vmem>>) target(%dma_start3A_32 : memref<10112x128xf32, #tpu.memory_space<vmem_shared>>) offsets(%arg8 : memref<128xi32, #tpu.memory_space<vmem>>) semaphore(%run_scoped3A : memref<!tpu.dma_semaphore, #tpu.memory_space<semaphore_mem>>) {add = true}
        %dma_wait3A_33 = arith.constant 0 : i32
        %dma_wait3A_34 = arith.constant 0 : i32
        %dma_wait3A_35 = tpu.memref_slice %arg10[%dma_wait3A_33, %dma_wait3A_34] : memref<10112x128xf32, #tpu.memory_space<vmem_shared>> -> memref<10112x128xf32, #tpu.memory_space<vmem_shared>>
        tpu.wait_indirect_dma semaphore(%run_scoped3A : memref<!tpu.dma_semaphore, #tpu.memory_space<semaphore_mem>>) src(%arg9 : memref<128x128xf32, #tpu.memory_space<vmem>>) dst(%dma_wait3A_35 : memref<10112x128xf32, #tpu.memory_space<vmem_shared>>)
        tpu.yield
      }) : () -> ()
    }
    %scan3A_12 = arith.constant 79 : i32
    %barrier3A_13 = arith.constant 0 : index
    tpu.barrier barrier_id(%barrier3A_13)
    %mul3A_14 = arith.constant 632 : i32
    %mul3A_15 = arith.muli %arg1, %mul3A_14 : i32
    %mul3A_16 = arith.constant 632 : i32
    %mul3A_17 = arith.muli %arg1, %mul3A_16 : i32
    "tpu.region"() ({
      %run_scoped3A = tpu.sem_alloc : memref<!tpu.dma_semaphore, #tpu.memory_space<semaphore_mem>>
      %dma_start3A = arith.constant 0 : i32
      %dma_start3A_18 = tpu.memref_slice %arg6[%arg0, %mul3A_17, %dma_start3A] : memref<2x10112x128xf32, #tpu.memory_space<hbm>> -> memref<1x632x128xf32, #tpu.memory_space<hbm>>
      %dma_start3A_19 = tpu.memref_squeeze %dma_start3A_18 : memref<1x632x128xf32, #tpu.memory_space<hbm>> -> memref<632x128xf32, #tpu.memory_space<hbm>>
      %dma_start3A_20 = arith.constant 0 : i32
      %dma_start3A_21 = tpu.memref_slice %arg10[%mul3A_15, %dma_start3A_20] : memref<10112x128xf32, #tpu.memory_space<vmem_shared>> -> memref<632x128xf32, #tpu.memory_space<vmem_shared>>
      tpu.enqueue_dma source(%dma_start3A_21 : memref<632x128xf32, #tpu.memory_space<vmem_shared>>) target(%dma_start3A_19 : memref<632x128xf32, #tpu.memory_space<hbm>>) target_semaphore(%run_scoped3A : memref<!tpu.dma_semaphore, #tpu.memory_space<semaphore_mem>>)
      %dma_wait3A = arith.constant 0 : i32
      %dma_wait3A_22 = tpu.memref_slice %arg6[%arg0, %mul3A_17, %dma_wait3A] : memref<2x10112x128xf32, #tpu.memory_space<hbm>> -> memref<1x632x128xf32, #tpu.memory_space<hbm>>
      %dma_wait3A_23 = tpu.memref_squeeze %dma_wait3A_22 : memref<1x632x128xf32, #tpu.memory_space<hbm>> -> memref<632x128xf32, #tpu.memory_space<hbm>>
      %dma_wait3A_24 = arith.constant 0 : i32
      %dma_wait3A_25 = tpu.memref_slice %arg10[%mul3A_15, %dma_wait3A_24] : memref<10112x128xf32, #tpu.memory_space<vmem_shared>> -> memref<632x128xf32, #tpu.memory_space<vmem_shared>>
      tpu.wait_dma2 semaphore(%run_scoped3A : memref<!tpu.dma_semaphore, #tpu.memory_space<semaphore_mem>>) src(%dma_wait3A_25 : memref<632x128xf32, #tpu.memory_space<vmem_shared>>) dst(%dma_wait3A_23 : memref<632x128xf32, #tpu.memory_space<hbm>>)
      tpu.yield
    }) : () -> ()
    return
  }
}

module attributes {stable_mosaic.version = 14 : i64} {
  func.func @_mlp1_body(%arg0: memref<10000x128xf32, #tpu.memory_space<vmem>>, %arg1: memref<2x10112x128xf32, #tpu.memory_space<vmem>>, %arg2: memref<128x128xf32, #tpu.memory_space<vmem>>, %arg3: memref<1x128xf32, #tpu.memory_space<vmem>>, %arg4: memref<1x128xf32, #tpu.memory_space<vmem>>, %arg5: memref<1x128xf32, #tpu.memory_space<vmem>>, %arg6: memref<128x128xf32, #tpu.memory_space<vmem>>, %arg7: memref<1x128xf32, #tpu.memory_space<vmem>>, %arg8: memref<10000x128xf32, #tpu.memory_space<vmem>>) attributes {dimension_semantics = [], scalar_prefetch = 0 : i64, scratch_operands = 0 : i64, tpu.core_type = #tpu.core_type<tc>} {
    %get3A = arith.constant 0 : index
    %get3A_0 = arith.constant 0 : index
    %get3A_1 = vector.load %arg0[%get3A, %get3A_0] : memref<10000x128xf32, #tpu.memory_space<vmem>>, vector<10000x128xf32>
    %get3A_2 = arith.constant 0 : index
    %get3A_3 = arith.constant 0 : index
    %get3A_4 = arith.constant 0 : index
    %get3A_5 = vector.load %arg1[%get3A_2, %get3A_3, %get3A_4] : memref<2x10112x128xf32, #tpu.memory_space<vmem>>, vector<1x10000x128xf32>
    %get3A_6 = vector.shape_cast %get3A_5 : vector<1x10000x128xf32> to vector<10000x128xf32>
    %add3A = arith.addf %get3A_1, %get3A_6 : vector<10000x128xf32>
    %get3A_7 = arith.constant 1 : index
    %get3A_8 = arith.constant 0 : index
    %get3A_9 = arith.constant 0 : index
    %get3A_10 = vector.load %arg1[%get3A_7, %get3A_8, %get3A_9] : memref<2x10112x128xf32, #tpu.memory_space<vmem>>, vector<1x10000x128xf32>
    %get3A_11 = vector.shape_cast %get3A_10 : vector<1x10000x128xf32> to vector<10000x128xf32>
    %add3A_12 = arith.addf %add3A, %get3A_11 : vector<10000x128xf32>
    %get3A_13 = arith.constant 0 : index
    %get3A_14 = arith.constant 0 : index
    %get3A_15 = vector.load %arg2[%get3A_13, %get3A_14] : memref<128x128xf32, #tpu.memory_space<vmem>>, vector<128x128xf32>
    %dot_general3A = arith.constant dense<0.000000e+00> : vector<10000x128xf32>
    %dot_general3A_16 = tpu.matmul %add3A_12, %get3A_15, %dot_general3A {dimension_numbers = #tpu.dot_dimension_numbers<[1], [0], [0], [1], [0, 0, 1, 1], [], []>, transpose_lhs_hint = false} : vector<10000x128xf32>, vector<128x128xf32>, vector<10000x128xf32> -> vector<10000x128xf32>
    %get3A_17 = arith.constant 0 : index
    %get3A_18 = arith.constant 0 : index
    %get3A_19 = vector.load %arg3[%get3A_17, %get3A_18] : memref<1x128xf32, #tpu.memory_space<vmem>>, vector<1x128xf32>
    %add3A_20 = vector.broadcast %get3A_19 : vector<1x128xf32> to vector<10000x128xf32>
    %add3A_21 = arith.addf %dot_general3A_16, %add3A_20 : vector<10000x128xf32>
    %reduce_sum3A = arith.constant dense<0.000000e+00> : vector<128xf32>
    %reduce_sum3A_22 = vector.multi_reduction <add>, %add3A_21, %reduce_sum3A [0] : vector<10000x128xf32> to vector<128xf32>
    %broadcast_in_dim3A = vector.shape_cast %reduce_sum3A_22 : vector<128xf32> to vector<1x128xf32>
    %div3A = arith.constant 1.000000e+04 : f32
    %div3A_23 = vector.broadcast %div3A : f32 to vector<1x128xf32>
    %div3A_24 = arith.divf %broadcast_in_dim3A, %div3A_23 : vector<1x128xf32>
    %sub3A = vector.broadcast %div3A_24 : vector<1x128xf32> to vector<10000x128xf32>
    %sub3A_25 = arith.subf %add3A_21, %sub3A : vector<10000x128xf32>
    %square3A = arith.mulf %sub3A_25, %sub3A_25 : vector<10000x128xf32>
    %reduce_sum3A_26 = arith.constant dense<0.000000e+00> : vector<128xf32>
    %reduce_sum3A_27 = vector.multi_reduction <add>, %square3A, %reduce_sum3A_26 [0] : vector<10000x128xf32> to vector<128xf32>
    %broadcast_in_dim3A_28 = vector.shape_cast %reduce_sum3A_27 : vector<128xf32> to vector<1x128xf32>
    %div3A_29 = arith.constant 1.000000e+04 : f32
    %div3A_30 = vector.broadcast %div3A_29 : f32 to vector<1x128xf32>
    %div3A_31 = arith.divf %broadcast_in_dim3A_28, %div3A_30 : vector<1x128xf32>
    %sub3A_32 = vector.broadcast %div3A_24 : vector<1x128xf32> to vector<10000x128xf32>
    %sub3A_33 = arith.subf %add3A_21, %sub3A_32 : vector<10000x128xf32>
    %add3A_34 = arith.constant 9.99999974E-6 : f32
    %add3A_35 = vector.broadcast %add3A_34 : f32 to vector<1x128xf32>
    %add3A_36 = arith.addf %div3A_31, %add3A_35 : vector<1x128xf32>
    %rsqrt3A = math.rsqrt %add3A_36 : vector<1x128xf32>
    %mul3A = vector.broadcast %rsqrt3A : vector<1x128xf32> to vector<10000x128xf32>
    %mul3A_37 = arith.mulf %sub3A_33, %mul3A : vector<10000x128xf32>
    %get3A_38 = arith.constant 0 : index
    %get3A_39 = arith.constant 0 : index
    %get3A_40 = vector.load %arg4[%get3A_38, %get3A_39] : memref<1x128xf32, #tpu.memory_space<vmem>>, vector<1x128xf32>
    %mul3A_41 = vector.broadcast %get3A_40 : vector<1x128xf32> to vector<10000x128xf32>
    %mul3A_42 = arith.mulf %mul3A_37, %mul3A_41 : vector<10000x128xf32>
    %get3A_43 = arith.constant 0 : index
    %get3A_44 = arith.constant 0 : index
    %get3A_45 = vector.load %arg5[%get3A_43, %get3A_44] : memref<1x128xf32, #tpu.memory_space<vmem>>, vector<1x128xf32>
    %add3A_46 = vector.broadcast %get3A_45 : vector<1x128xf32> to vector<10000x128xf32>
    %add3A_47 = arith.addf %mul3A_42, %add3A_46 : vector<10000x128xf32>
    %max3A = arith.constant 0.000000e+00 : f32
    %max3A_48 = vector.broadcast %max3A : f32 to vector<10000x128xf32>
    %max3A_49 = arith.maximumf %add3A_47, %max3A_48 : vector<10000x128xf32>
    %get3A_50 = arith.constant 0 : index
    %get3A_51 = arith.constant 0 : index
    %get3A_52 = vector.load %arg6[%get3A_50, %get3A_51] : memref<128x128xf32, #tpu.memory_space<vmem>>, vector<128x128xf32>
    %dot_general3A_53 = arith.constant dense<0.000000e+00> : vector<10000x128xf32>
    %dot_general3A_54 = tpu.matmul %max3A_49, %get3A_52, %dot_general3A_53 {dimension_numbers = #tpu.dot_dimension_numbers<[1], [0], [0], [1], [0, 0, 1, 1], [], []>, transpose_lhs_hint = false} : vector<10000x128xf32>, vector<128x128xf32>, vector<10000x128xf32> -> vector<10000x128xf32>
    %get3A_55 = arith.constant 0 : index
    %get3A_56 = arith.constant 0 : index
    %get3A_57 = vector.load %arg7[%get3A_55, %get3A_56] : memref<1x128xf32, #tpu.memory_space<vmem>>, vector<1x128xf32>
    %add3A_58 = vector.broadcast %get3A_57 : vector<1x128xf32> to vector<10000x128xf32>
    %add3A_59 = arith.addf %dot_general3A_54, %add3A_58 : vector<10000x128xf32>
    %max3A_60 = arith.constant 0.000000e+00 : f32
    %max3A_61 = vector.broadcast %max3A_60 : f32 to vector<10000x128xf32>
    %max3A_62 = arith.maximumf %add3A_59, %max3A_61 : vector<10000x128xf32>
    %swap3A = arith.constant 0 : index
    %swap3A_63 = arith.constant 0 : index
    %swap3A_64 = vector.load %arg8[%swap3A, %swap3A_63] : memref<10000x128xf32, #tpu.memory_space<vmem>>, vector<10000x128xf32>
    tpu.vector_store %arg8[%swap3A, %swap3A_63], %max3A_62 {strides = array<i32>} : memref<10000x128xf32, #tpu.memory_space<vmem>>, vector<10000x128xf32>,
    return
  }
}

module attributes {stable_mosaic.version = 14 : i64} {
  func.func @_mlp2_body(%arg0: memref<10000x128xf32, #tpu.memory_space<vmem>>, %arg1: memref<2x10112x128xf32, #tpu.memory_space<vmem>>, %arg2: memref<10000x1xi32, #tpu.memory_space<vmem>>, %arg3: memref<128x128xf32, #tpu.memory_space<vmem>>, %arg4: memref<1x128xf32, #tpu.memory_space<vmem>>, %arg5: memref<1x128xf32, #tpu.memory_space<vmem>>, %arg6: memref<1x128xf32, #tpu.memory_space<vmem>>, %arg7: memref<128x128xf32, #tpu.memory_space<vmem>>, %arg8: memref<1x128xf32, #tpu.memory_space<vmem>>, %arg9: memref<128x128xf32, #tpu.memory_space<vmem>>, %arg10: memref<1x128xf32, #tpu.memory_space<vmem>>, %arg11: memref<128x16xf32, #tpu.memory_space<vmem>>, %arg12: memref<1x16xf32, #tpu.memory_space<vmem>>, %arg13: memref<10000x128xf32, #tpu.memory_space<vmem>>, %arg14: memref<64x128xf32, #tpu.memory_space<vmem>>, %arg15: memref<64x16xf32, #tpu.memory_space<vmem>>) attributes {dimension_semantics = [], scalar_prefetch = 0 : i64, scratch_operands = 0 : i64, tpu.core_type = #tpu.core_type<tc>} {
    %get3A = arith.constant 0 : index
    %get3A_0 = arith.constant 0 : index
    %get3A_1 = vector.load %arg0[%get3A, %get3A_0] : memref<10000x128xf32, #tpu.memory_space<vmem>>, vector<10000x128xf32>
    %get3A_2 = arith.constant 0 : index
    %get3A_3 = arith.constant 0 : index
    %get3A_4 = arith.constant 0 : index
    %get3A_5 = vector.load %arg1[%get3A_2, %get3A_3, %get3A_4] : memref<2x10112x128xf32, #tpu.memory_space<vmem>>, vector<1x10000x128xf32>
    %get3A_6 = vector.shape_cast %get3A_5 : vector<1x10000x128xf32> to vector<10000x128xf32>
    %add3A = arith.addf %get3A_1, %get3A_6 : vector<10000x128xf32>
    %get3A_7 = arith.constant 1 : index
    %get3A_8 = arith.constant 0 : index
    %get3A_9 = arith.constant 0 : index
    %get3A_10 = vector.load %arg1[%get3A_7, %get3A_8, %get3A_9] : memref<2x10112x128xf32, #tpu.memory_space<vmem>>, vector<1x10000x128xf32>
    %get3A_11 = vector.shape_cast %get3A_10 : vector<1x10000x128xf32> to vector<10000x128xf32>
    %add3A_12 = arith.addf %add3A, %get3A_11 : vector<10000x128xf32>
    %get3A_13 = arith.constant 0 : index
    %get3A_14 = arith.constant 0 : index
    %get3A_15 = vector.load %arg3[%get3A_13, %get3A_14] : memref<128x128xf32, #tpu.memory_space<vmem>>, vector<128x128xf32>
    %dot_general3A = arith.constant dense<0.000000e+00> : vector<10000x128xf32>
    %dot_general3A_16 = tpu.matmul %add3A_12, %get3A_15, %dot_general3A {dimension_numbers = #tpu.dot_dimension_numbers<[1], [0], [0], [1], [0, 0, 1, 1], [], []>, transpose_lhs_hint = false} : vector<10000x128xf32>, vector<128x128xf32>, vector<10000x128xf32> -> vector<10000x128xf32>
    %get3A_17 = arith.constant 0 : index
    %get3A_18 = arith.constant 0 : index
    %get3A_19 = vector.load %arg4[%get3A_17, %get3A_18] : memref<1x128xf32, #tpu.memory_space<vmem>>, vector<1x128xf32>
    %add3A_20 = vector.broadcast %get3A_19 : vector<1x128xf32> to vector<10000x128xf32>
    %add3A_21 = arith.addf %dot_general3A_16, %add3A_20 : vector<10000x128xf32>
    %reduce_sum3A = arith.constant dense<0.000000e+00> : vector<128xf32>
    %reduce_sum3A_22 = vector.multi_reduction <add>, %add3A_21, %reduce_sum3A [0] : vector<10000x128xf32> to vector<128xf32>
    %broadcast_in_dim3A = vector.shape_cast %reduce_sum3A_22 : vector<128xf32> to vector<1x128xf32>
    %div3A = arith.constant 1.000000e+04 : f32
    %div3A_23 = vector.broadcast %div3A : f32 to vector<1x128xf32>
    %div3A_24 = arith.divf %broadcast_in_dim3A, %div3A_23 : vector<1x128xf32>
    %sub3A = vector.broadcast %div3A_24 : vector<1x128xf32> to vector<10000x128xf32>
    %sub3A_25 = arith.subf %add3A_21, %sub3A : vector<10000x128xf32>
    %square3A = arith.mulf %sub3A_25, %sub3A_25 : vector<10000x128xf32>
    %reduce_sum3A_26 = arith.constant dense<0.000000e+00> : vector<128xf32>
    %reduce_sum3A_27 = vector.multi_reduction <add>, %square3A, %reduce_sum3A_26 [0] : vector<10000x128xf32> to vector<128xf32>
    %broadcast_in_dim3A_28 = vector.shape_cast %reduce_sum3A_27 : vector<128xf32> to vector<1x128xf32>
    %div3A_29 = arith.constant 1.000000e+04 : f32
    %div3A_30 = vector.broadcast %div3A_29 : f32 to vector<1x128xf32>
    %div3A_31 = arith.divf %broadcast_in_dim3A_28, %div3A_30 : vector<1x128xf32>
    %sub3A_32 = vector.broadcast %div3A_24 : vector<1x128xf32> to vector<10000x128xf32>
    %sub3A_33 = arith.subf %add3A_21, %sub3A_32 : vector<10000x128xf32>
    %add3A_34 = arith.constant 9.99999974E-6 : f32
    %add3A_35 = vector.broadcast %add3A_34 : f32 to vector<1x128xf32>
    %add3A_36 = arith.addf %div3A_31, %add3A_35 : vector<1x128xf32>
    %rsqrt3A = math.rsqrt %add3A_36 : vector<1x128xf32>
    %mul3A = vector.broadcast %rsqrt3A : vector<1x128xf32> to vector<10000x128xf32>
    %mul3A_37 = arith.mulf %sub3A_33, %mul3A : vector<10000x128xf32>
    %get3A_38 = arith.constant 0 : index
    %get3A_39 = arith.constant 0 : index
    %get3A_40 = vector.load %arg5[%get3A_38, %get3A_39] : memref<1x128xf32, #tpu.memory_space<vmem>>, vector<1x128xf32>
    %mul3A_41 = vector.broadcast %get3A_40 : vector<1x128xf32> to vector<10000x128xf32>
    %mul3A_42 = arith.mulf %mul3A_37, %mul3A_41 : vector<10000x128xf32>
    %get3A_43 = arith.constant 0 : index
    %get3A_44 = arith.constant 0 : index
    %get3A_45 = vector.load %arg6[%get3A_43, %get3A_44] : memref<1x128xf32, #tpu.memory_space<vmem>>, vector<1x128xf32>
    %add3A_46 = vector.broadcast %get3A_45 : vector<1x128xf32> to vector<10000x128xf32>
    %add3A_47 = arith.addf %mul3A_42, %add3A_46 : vector<10000x128xf32>
    %max3A = arith.constant 0.000000e+00 : f32
    %max3A_48 = vector.broadcast %max3A : f32 to vector<10000x128xf32>
    %max3A_49 = arith.maximumf %add3A_47, %max3A_48 : vector<10000x128xf32>
    %get3A_50 = arith.constant 0 : index
    %get3A_51 = arith.constant 0 : index
    %get3A_52 = vector.load %arg7[%get3A_50, %get3A_51] : memref<128x128xf32, #tpu.memory_space<vmem>>, vector<128x128xf32>
    %dot_general3A_53 = arith.constant dense<0.000000e+00> : vector<10000x128xf32>
    %dot_general3A_54 = tpu.matmul %max3A_49, %get3A_52, %dot_general3A_53 {dimension_numbers = #tpu.dot_dimension_numbers<[1], [0], [0], [1], [0, 0, 1, 1], [], []>, transpose_lhs_hint = false} : vector<10000x128xf32>, vector<128x128xf32>, vector<10000x128xf32> -> vector<10000x128xf32>
    %get3A_55 = arith.constant 0 : index
    %get3A_56 = arith.constant 0 : index
    %get3A_57 = vector.load %arg8[%get3A_55, %get3A_56] : memref<1x128xf32, #tpu.memory_space<vmem>>, vector<1x128xf32>
    %add3A_58 = vector.broadcast %get3A_57 : vector<1x128xf32> to vector<10000x128xf32>
    %add3A_59 = arith.addf %dot_general3A_54, %add3A_58 : vector<10000x128xf32>
    %swap3A = arith.constant 0 : index
    %swap3A_60 = arith.constant 0 : index
    %swap3A_61 = vector.load %arg13[%swap3A, %swap3A_60] : memref<10000x128xf32, #tpu.memory_space<vmem>>, vector<10000x128xf32>
    tpu.vector_store %arg13[%swap3A, %swap3A_60], %add3A_59 {strides = array<i32>} : memref<10000x128xf32, #tpu.memory_space<vmem>>, vector<10000x128xf32>,
    %get3A_62 = arith.constant 0 : index
    %get3A_63 = arith.constant 0 : index
    %get3A_64 = vector.load %arg2[%get3A_62, %get3A_63] : memref<10000x1xi32, #tpu.memory_space<vmem>>, vector<10000x1xi32>
    %iota3A = tpu.iota {dimensions = array<i32: 1>} : vector<1x64xi32>
    %eq3A = vector.broadcast %get3A_64 : vector<10000x1xi32> to vector<10000x64xi32>
    %eq3A_65 = vector.broadcast %iota3A : vector<1x64xi32> to vector<10000x64xi32>
    %eq3A_66 = arith.cmpi eq, %eq3A, %eq3A_65 : vector<10000x64xi32>
    %convert_element_type3A = arith.extui %eq3A_66 : vector<10000x64xi1> to vector<10000x64xi32>
    %convert_element_type3A_67 = arith.sitofp %convert_element_type3A : vector<10000x64xi32> to vector<10000x64xf32>
    %dot_general3A_68 = arith.constant dense<0.000000e+00> : vector<64x128xf32>
    %dot_general3A_69 = tpu.matmul %convert_element_type3A_67, %add3A_59, %dot_general3A_68 {dimension_numbers = #tpu.dot_dimension_numbers<[0], [0], [1], [1], [0, 1, 1, 1], [], []>, transpose_lhs_hint = false} : vector<10000x64xf32>, vector<10000x128xf32>, vector<64x128xf32> -> vector<64x128xf32>
    %broadcast_in_dim3A_70 = arith.constant 1.000000e+00 : f32
    %broadcast_in_dim3A_71 = vector.broadcast %broadcast_in_dim3A_70 : f32 to vector<10000x1xf32>
    %dot_general3A_72 = arith.constant dense<0.000000e+00> : vector<64x1xf32>
    %dot_general3A_73 = tpu.matmul %convert_element_type3A_67, %broadcast_in_dim3A_71, %dot_general3A_72 {dimension_numbers = #tpu.dot_dimension_numbers<[0], [0], [1], [1], [0, 1, 1, 1], [], []>, transpose_lhs_hint = false} : vector<10000x64xf32>, vector<10000x1xf32>, vector<64x1xf32> -> vector<64x1xf32>
    %max3A_74 = arith.constant 1.000000e+00 : f32
    %max3A_75 = vector.broadcast %max3A_74 : f32 to vector<64x1xf32>
    %max3A_76 = arith.maximumf %dot_general3A_73, %max3A_75 : vector<64x1xf32>
    %div3A_77 = vector.broadcast %max3A_76 : vector<64x1xf32> to vector<64x128xf32>
    %div3A_78 = arith.divf %dot_general3A_69, %div3A_77 : vector<64x128xf32>
    %swap3A_79 = arith.constant 0 : index
    %swap3A_80 = arith.constant 0 : index
    %swap3A_81 = vector.load %arg14[%swap3A_79, %swap3A_80] : memref<64x128xf32, #tpu.memory_space<vmem>>, vector<64x128xf32>
    tpu.vector_store %arg14[%swap3A_79, %swap3A_80], %div3A_78 {strides = array<i32>} : memref<64x128xf32, #tpu.memory_space<vmem>>, vector<64x128xf32>,
    %get3A_82 = arith.constant 0 : index
    %get3A_83 = arith.constant 0 : index
    %get3A_84 = vector.load %arg9[%get3A_82, %get3A_83] : memref<128x128xf32, #tpu.memory_space<vmem>>, vector<128x128xf32>
    %dot_general3A_85 = arith.constant dense<0.000000e+00> : vector<64x128xf32>
    %dot_general3A_86 = tpu.matmul %div3A_78, %get3A_84, %dot_general3A_85 {dimension_numbers = #tpu.dot_dimension_numbers<[1], [0], [0], [1], [0, 0, 1, 1], [], []>, transpose_lhs_hint = false} : vector<64x128xf32>, vector<128x128xf32>, vector<64x128xf32> -> vector<64x128xf32>
    %get3A_87 = arith.constant 0 : index
    %get3A_88 = arith.constant 0 : index
    %get3A_89 = vector.load %arg10[%get3A_87, %get3A_88] : memref<1x128xf32, #tpu.memory_space<vmem>>, vector<1x128xf32>
    %add3A_90 = vector.broadcast %get3A_89 : vector<1x128xf32> to vector<64x128xf32>
    %add3A_91 = arith.addf %dot_general3A_86, %add3A_90 : vector<64x128xf32>
    %max3A_92 = arith.constant 0.000000e+00 : f32
    %max3A_93 = vector.broadcast %max3A_92 : f32 to vector<64x128xf32>
    %max3A_94 = arith.maximumf %add3A_91, %max3A_93 : vector<64x128xf32>
    %get3A_95 = arith.constant 0 : index
    %get3A_96 = arith.constant 0 : index
    %get3A_97 = vector.load %arg11[%get3A_95, %get3A_96] : memref<128x16xf32, #tpu.memory_space<vmem>>, vector<128x16xf32>
    %dot_general3A_98 = arith.constant dense<0.000000e+00> : vector<64x16xf32>
    %dot_general3A_99 = tpu.matmul %max3A_94, %get3A_97, %dot_general3A_98 {dimension_numbers = #tpu.dot_dimension_numbers<[1], [0], [0], [1], [0, 0, 1, 1], [], []>, transpose_lhs_hint = false} : vector<64x128xf32>, vector<128x16xf32>, vector<64x16xf32> -> vector<64x16xf32>
    %get3A_100 = arith.constant 0 : index
    %get3A_101 = arith.constant 0 : index
    %get3A_102 = vector.load %arg12[%get3A_100, %get3A_101] : memref<1x16xf32, #tpu.memory_space<vmem>>, vector<1x16xf32>
    %add3A_103 = vector.broadcast %get3A_102 : vector<1x16xf32> to vector<64x16xf32>
    %add3A_104 = arith.addf %dot_general3A_99, %add3A_103 : vector<64x16xf32>
    %swap3A_105 = arith.constant 0 : index
    %swap3A_106 = arith.constant 0 : index
    %swap3A_107 = vector.load %arg15[%swap3A_105, %swap3A_106] : memref<64x16xf32, #tpu.memory_space<vmem>>, vector<64x16xf32>
    tpu.vector_store %arg15[%swap3A_105, %swap3A_106], %add3A_104 {strides = array<i32>} : memref<64x16xf32, #tpu.memory_space<vmem>>, vector<64x16xf32>,
    return
  }
}

</mosaic_0001>

<sc_bundles>
// kernel: kernel.6.cloned.1.call-start
scs
__scs_entry_jumppad:
0x0: {  	(pc) =	sbr.rel $0x88, $3  }
0x1: {  	(tag) =	ssettag $0x0;
	lr =	simm.s32 $0x1  }
0x2: {  	[smem:$0x3F8E] =	sst lr;
	_ =	strace $0xD0000000  }
0x3: {  	_ = 	snop  }
0x4: {  	_ = 	snop  }
0x5: {  	_ = 	snop  }
0x6: {  	_ = 	snop  }
0x7: {  	_ = 	snop  }
__scs_overlays_trampoline_lowered:
0x8: {  	[smem:$0x3F9D] =	sst s0  }
0x9: {  	[smem:$0x3F9E] =	sst s1  }
0xa: {  	[smem:$0x3F9F] =	sst s2  }
0xb: {  	[smem:$0x3FA0] =	sst s3  }
0xc: {  	[smem:$0x3FA1] =	sst s4  }
0xd: {  	[smem:$0x3FA2] =	sst s5  }
0xe: {  	[smem:$0x3FA3] =	sst s6  }
0xf: {  	[smem:$0x3FA4] =	sst s7  }
0x10: {  	[smem:$0x3FA5] =	sst s8  }
0x11: {  	[smem:$0x3FA6] =	sst s9;
	s0 =	simm.s32 @!p0 $0x0  }
0x12: {  	s1 =	sld [smem:$0x3F8C];
	s0 =	simm.s32 @p0 $0x1  }
0x13: {  	[smem:$0x3FA7] =	sst s0;
	s0 =	simm.s32 @!p1 $0x0  }
0x14: {  	s2 =	sld [smem:$0x3F8B];
	s0 =	simm.s32 @p1 $0x1  }
0x15: {  	[smem:$0x3FA8] =	sst s0;
	s0 =	simm.s32 @!p2 $0x0  }
0x16: {  	s3 =	sld [smem:$0x3FDB];
	s0 =	simm.s32 @p2 $0x1  }
0x17: {  	s4 =	simm.s32 $0x1BF5;
	[smem:$0x3FAA] =	sst s0  }
0x18: {  	s0 =	sld [smem:$0x3F8D];
	_ =	swait.ge [sflag:s4], $0x0  }
0x19: {  	s7 =	sld [smem:$0x3F8E]  }
0x1a: {  	s8 =	sadd.s32 $0xFFFFE003, lr  }
0x1b: {  	s9 =	sadd.s32 $0xFFFFFEF7, lr;
	s5 =	simm.s32 $0xFFFFFFFF;
	p2 =	slt.u32 s8, $0xFFFFF086  }
0x1c: {  	p1 =	slt.u32 s9, $0xF7A;
	s5 =	simm.s32 @!p2 $0x0  }
0x1d: {  	s5 =	simm.s32 @p1 $0x1;
	p0 =	seq.s32 s7, s2  }
0x1e: {  	s7 =	smul.u32 @!p0 $0xF7A, s2;
	p2 =	seq.s32 @!p0 s5, $0x0  }
0x1f: {  	s9 =	smul.u32 $0xF7A, s1;
	s8 =	simm.s32 @!p0 $0x1BF5;
	p2 =	por !p2, p0  }
0x20: {  	[sflag:s8] =	ssyncset.s32 @!p0 $0xFFFFF086;
	s6 =	sadd.s32 @!p0 s3, s7;
	s7 =	simm.s32 @!p0 $0x108  }
0x21: {  	s3 =	sadd.s32 s3, s9;
	s6 =	sadd.s32 @!p0 $0x88, s6;
	s7 =	simm.s32 @p2 $0x1082  }
0x22: {  	[simem:s7], [sflag:s8] =	dma.local @!p0 [hbm:s6], $0xF7A  }
0x23: {  	s9 =	sor.u32 $0xD0000000, s2;
	s6 =	simm.s32 $0x108;
	_ =	swait.ge @!p0 [sflag:s8], $0x0  }
0x24: {  	s3 =	sadd.s32 $0x88, s3;
	s6 =	simm.s32 @!p1 $0x1082;
	[sflag:s4] =	ssyncset.s32 $0xFFFFF086  }
0x25: {  	[simem:s6], [sflag:s4] =	dma.local [hbm:s3], $0xF7A  }
0x26: {  	[smem:$0x3F8E] =	sst s1;
	(tag) =	ssettag s2;
	_ =	strace s9  }
0x27: {  	s1 =	sld [smem:$0x3F9E]  }
0x28: {  	s2 =	sld [smem:$0x3F9F]  }
0x29: {  	s4 =	sld [smem:$0x3FA1]  }
0x2a: {  	p0 =	seq.s32 s5, $0x0;
	s5 =	sld [smem:$0x3FA2]  }
0x2b: {  	s6 =	sld [smem:$0x3FA3]  }
0x2c: {  	s7 =	sld [smem:$0x3FA4]  }
0x2d: {  	s3 =	simm.s32 $0x108;
	s8 =	sld [smem:$0x3FA5]  }
0x2e: {  	s3 =	simm.s32 @!p0 $0x1082;
	s9 =	sld [smem:$0x3FA6]  }
0x2f: {  	lr =	sadd.s32 s0, s3;
	s0 =	sld [smem:$0x3F9D]  }
0x30: {  	s3 =	sld [smem:$0x3FA0]  }
0x31: {  	[smem:$0x3FA9] =	sst s10  }
0x32: {  	s10 =	sld [smem:$0x3FA7];
	_ =	sdelay $0x3  }
0x33: {  	p0 =	seq.s32 s10, $0x1;
	s10 =	sld [smem:$0x3FA9];
	_ =	sdelay $0x3  }
0x34: {  	[smem:$0x3FA9] =	sst s10  }
0x35: {  	s10 =	sld [smem:$0x3FA8];
	_ =	sdelay $0x3  }
0x36: {  	p1 =	seq.s32 s10, $0x1;
	s10 =	sld [smem:$0x3FA9];
	_ =	sdelay $0x3  }
0x37: {  	[smem:$0x3FA9] =	sst s10  }
0x38: {  	s10 =	sld [smem:$0x3FAA]  }
0x39: {  	_ = 	snop;
	(pc) =	sbr.ind lr, $3  }
0x3a: {  	_ = 	snop  }
0x3b: {  	_ = 	snop  }
0x3c: {  	p2 =	seq.s32 s10, $0x1;
	s10 =	sld [smem:$0x3FA9]  }
0x3d: {  	_ =	shalt  }
0x3e: {  	_ =	shalt  }
0x3f: {  	_ =	shalt  }
0x40: {  	_ =	shalt  }
0x41: {  	_ =	shalt  }
0x42: {  	_ =	shalt  }
0x43: {  	_ =	shalt  }
0x44: {  	_ =	shalt  }
0x45: {  	_ =	shalt  }
0x46: {  	_ =	shalt  }
0x47: {  	_ =	shalt  }
0x48: {  	_ =	shalt  }
0x49: {  	_ =	shalt  }
0x4a: {  	_ =	shalt  }
0x4b: {  	_ =	shalt  }
0x4c: {  	_ =	shalt  }
0x4d: {  	_ =	shalt  }
0x4e: {  	_ =	shalt  }
0x4f: {  	_ =	shalt  }
0x50: {  	_ =	shalt  }
0x51: {  	_ =	shalt  }
0x52: {  	_ =	shalt  }
0x53: {  	_ =	shalt  }
0x54: {  	_ =	shalt  }
0x55: {  	_ =	shalt  }
0x56: {  	_ =	shalt  }
0x57: {  	_ =	shalt  }
0x58: {  	_ =	shalt  }
0x59: {  	_ =	shalt  }
0x5a: {  	_ =	shalt  }
0x5b: {  	_ =	shalt  }
0x5c: {  	_ =	shalt  }
0x5d: {  	_ =	shalt  }
0x5e: {  	_ =	shalt  }
0x5f: {  	_ =	shalt  }
0x60: {  	_ =	shalt  }
0x61: {  	_ =	shalt  }
0x62: {  	_ =	shalt  }
0x63: {  	_ =	shalt  }
0x64: {  	_ =	shalt  }
0x65: {  	_ =	shalt  }
0x66: {  	_ =	shalt  }
0x67: {  	_ =	shalt  }
0x68: {  	_ =	shalt  }
0x69: {  	_ =	shalt  }
0x6a: {  	_ =	shalt  }
0x6b: {  	_ =	shalt  }
0x6c: {  	_ =	shalt  }
0x6d: {  	_ =	shalt  }
0x6e: {  	_ =	shalt  }
0x6f: {  	_ =	shalt  }
0x70: {  	_ =	shalt  }
0x71: {  	_ =	shalt  }
0x72: {  	_ =	shalt  }
0x73: {  	_ =	shalt  }
0x74: {  	_ =	shalt  }
0x75: {  	_ =	shalt  }
0x76: {  	_ =	shalt  }
0x77: {  	_ =	shalt  }
0x78: {  	_ =	shalt  }
0x79: {  	_ =	shalt  }
0x7a: {  	_ =	shalt  }
0x7b: {  	_ =	shalt  }
0x7c: {  	_ =	shalt  }
0x7d: {  	_ =	shalt  }
0x7e: {  	_ =	shalt  }
0x7f: {  	_ =	shalt  }
0x80: {  	_ =	shalt  }
0x81: {  	_ =	shalt  }
0x82: {  	_ =	shalt  }
0x83: {  	_ =	shalt  }
0x84: {  	_ =	shalt  }
0x85: {  	_ =	shalt  }
0x86: {  	_ =	shalt  }
0x87: {  	_ =	shalt  }
.Lfunc_end0:
.L_simem_size_0:
called_computation_lowered:
.L_overlay_start_0:
0x88: {  	s2 =	sld [smem:$0x3FD9]  }
0x89: {  	s3 =	sld [smem:$0x3FFE];
	_ =	sdelay $0x1  }
0x8a: {  	s1 =	srdreg.scid  }
0x8b: {  	s0 =	sand.u32 $0x1, s1  }
0x8c: {  	s17 =	sshll.u32 s0, $0xA;
	s2 =	sadd.s32 s3, s2  }
0x8d: {  	s2 =	sadd.s32 s2, s17  }
0x8e: {  	[smem:$0x3FB5] =	sst s2  }
0x8f: {  	_ = 	snop  }
0x90: {  	s2 =	sld [smem:$0x3FC9];
	(tm) =	ssettm $0x1  }
0x91: {  	s18 =	sld [smem:$0x3FFB];
	_ =	sdelay $0x3  }
0x92: {  	_ =	strace s18  }
0x93: {  	s3 =	sld [smem:$0x3FFC];
	_ =	sdelay $0x3  }
0x94: {  	_ =	strace s3  }
0x95: {  	s3 =	sld [smem:$0x3FFD];
	_ =	sdelay $0x3  }
0x96: {  	_ =	strace s3  }
0x97: {  	_ =	strace $0x8FFFFFFF  }
0x98: {  	s19 =	sld [smem:$0x3FDB];
	_ =	sdelay $0x1  }
0x99: {  	s4 =	simm.s32 $_scs_section_size  }
0x9a: {  	s5 =	simm.s32 $_size__tile_overlayer_lowered;
	s6 =	simm.s32 $_tile_overlayer_lowered  }
0x9b: {  	s22 =	simm.s32 $0x1BFF;
	s21 =	sshll.u32 s6, $0x1;
	s3 =	sadd.s32 s4, s19  }
0x9c: {  	s7 =	simm.s32 $0x0;
	s20 =	sshll.u32 s5, $0x1;
	s5 =	sadd.s32 s21, s3  }
0x9d: {  	[timem:s7], [sflag:s22] =	dma.local [hbm:s5], s20  }
0x9e: {  	_ =	swait.ge [sflag:s22], s20  }
0x9f: {  	s4 =	ssub.s32 $0x0, s20;
	[sflag:s22] =	ssyncset.done $0x0  }
0xa0: {  	[sflag:s22] =	ssyncadd.s32 s4;
	_ =	sdelay $0x1  }
0xa1: {  	s23 =	simm.s32 $0x1B8B  }
0xa2: {  	_ =	swait.ge [sflag:s23], $0x1  }
0xa3: {  	[sflag:s23] =	ssyncset.done $0x0  }
0xa4: {  	s25 =	simm.s32 $0x1B8E;
	s24 =	sld [smem:$0x3FFE];
	[sflag:s23] =	ssyncadd.s32 $0xFFFFFFFF  }
0xa5: {  	s26 =	simm.s32 $execute0_lowered;
	[smem:$0x3FD2] =	sst s25  }
0xa6: {  	s5 =	sshll.u32 s26, $0x1;
	_ =	strace $0x80000046;
	[dreg:$0x1] =	wrdreg $0xFFFFFFFF  }
0xa7: {  	s28 =	simm.s32 $_size_execute0_lowered;
	s3 =	sadd.s32 s3, s5;
	[dreg:$0x0] =	wrdreg $0x0  }
0xa8: {  	s5 =	sshll.u32 s28, $0x1;
	[dreg:$0x2] =	wrdreg s3  }
0xa9: {  	[dreg:$0x3] =	wrdreg s5  }
0xaa: {  	[dreg:$0x4] =	wrdreg $0xC0  }
0xab: {  	_ =	task [dreg:s7], $0x5FFFF  }
0xac: {  	[dreg:$0x1] =	wrdreg $0xFFFFFFFF  }
0xad: {  	[dreg:$0x0] =	wrdreg $0x60  }
0xae: {  	[dreg:$0x2] =	wrdreg s2  }
0xaf: {  	[dreg:$0x3] =	wrdreg s24  }
0xb0: {  	[dreg:$0x4] =	wrdreg $0x41000  }
0xb1: {  	[dreg:$0x5] =	wrdreg $0x9  }
0xb2: {  	_ =	task.clear_ibuf [dreg:s7], $0x6FFFF;
	_ =	strace $0x90000046  }
0xb3: {  	s29 =	simm.s32 $0x9;
	_ =	strace $0x80000048  }
0xb4: {  	_ =	swait.ge [sflag:s29], $0x1  }
0xb5: {  	[sflag:s29] =	ssyncadd.s32 $0xFFFFFFFF  }
0xb6: {  	_ =	strace $0x90000048  }
0xb7: {  	_ =	sfence  }
0xb8: {  	s30 =	sld [smem:$0x0];
	_ =	sdelay $0x2  }
0xb9: {  	s31 =	sshll.u32 s1, $0xD;
	s1 =	sshrl.u32 s1, $0x2  }
0xba: {  	s3 =	sand.u32 $0x4000, s31;
	s1 =	sadd.s32 s1, s30  }
0xbb: {  	s0 =	sor.u32 s3, s0;
	s1 =	sshll.u32 s1, $0x11  }
0xbc: {  	s0 =	sor.u32 s1, s0  }
0xbd: {  	s0 =	sadd.s32 $0x8F2B, s0  }
0xbe: {  	[sflag:s0] =	ssyncadd.remote.s32 $0x1  }
0xbf: {  	_ =	sfence.sel $0xFFFF  }
0xc0: {  	[dreg:$0x0] =	wrdreg $0xFFFFFFFF;
	(pc) =	sbr.abs _section_cstart, $3  }
0xc1: {  	[dreg:$0x1] =	wrdreg $0xFFFFFFFF  }
0xc2: {  	_ =	task.clear_ibuf [dreg:s7], $0x2FFFF;
	_ =	strace $0x9FFFFFFF  }
0xc3: {  	(tm) =	ssettm $0x7FFFFFFF  }
tec
execute0_lowered:
.L_overlay_start_1:
0x0: {  	(tag) =	ssettag $0x1  }
0x1: {  	s0 =	rddreg [dreg:$0x0]  }
0x2: {  	s5 =	rddreg [dreg:$0x1]  }
0x3: {  	s1 =	srdreg.scid;
	s2 =	stileid.u32  }
0x4: {  	s3 =	rddreg [dreg:$0x2];
	s4 =	simm.s32 $0x0;
	s8 =	smul.u32 $0x13C00, s2  }
0x5: {  	s13 =	simm.s32 $0x80;
	s14 =	simm.s32 $0x100;
	s26 =	smul.u32 $0x4F000, s2  }
0x6: {  	s15 =	simm.s32 $0x1;
	s6 =	sand.u32 $0x1, s1;
	s30 =	smul.u32 $0x4F0, s2  }
0x7: {  	s16 =	simm.s32 $0x0;
	s1 =	rddreg [dreg:$0x3];
	s7 =	smul.u32 $0x4F00, s6  }
0x8: {  	[smem:$0x7FF] =	sst s4;
	s31 =	sshll.u32 s2, $0x6;
	s9 =	smul.u32 $0x13C000, s6  }
0x9: {  	_ =	strace $0x80000047;
	s6 =	ssub.s32 $0x2, s6;
	s25 =	sshrl.u32 s8, $0x3  }
0xa: {  	s28 =	sshrl.u32 s6, $0x1;
	s29 =	sshrl.u32 s26, $0x2;
	s10 =	sadd.s32 s7, s5  }
0xb: {  	s8 =	sadd.s32 s8, s9;
	s7 =	sadd.s32 s25, s5;
	s11 =	ssub.s32 s6, s28  }
0xc: {  	s12 =	sadd.s32 s29, s3;
	s6 =	sor.u32 $0x1C02, s31;
	s8 =	sshrl.u32 s8, $0x3  }
0xd: {  	s10 =	sadd.s32 s30, s10;
	s8 =	sadd.s32 s8, s5;
	s5 =	sadd.s32 $0x17000, s7  }
0xe: {  	s9 =	sadd.s32 $0xD200, s10;
	s10 =	sadd.s32 $0x3400, s10;
	s7 =	sadd.s32 $0x3E800, s8  }
0xf: {  	s8 =	smax.u32 s11, $0x1;
	s11 =	sshrl.u32 s12, $0x3;
	s12 =	simm.s32 $0x2  }
.LBB2_1:
0x10: {  	[spmem:s11], [sflag:s6] =	dma.local [hbm:s5], $0x2780  }
0x11: {  	_ =	swait.ge [sflag:s12], $0x2780  }
0x12: {  	[sflag:s12] =	ssyncset.done $0x0  }
0x13: {  	[sflag:s12] =	ssyncadd.s32 $0xFFFFD880  }
0x14: {  	s17 =	sadd.s32 $0x0, s10;
	[bflag:$0x0] =	sbarrier.arrive $0xFFFF  }
0x15: {  	[tilespmem:s4], [sflag:$0x2] =	stream.linear.gather [hbm4b:s17+s4], $0x80, $0x38;
	[tilespmem:$0x17D00] =	vst v63  }
0x16: {  	_ =	swait.ge [sflag:s12], $0x80  }
0x17: {  	[sflag:s12] =	ssyncset.done $0x0  }
0x18: {  	s31 =	sadd.s32 $0x0, s9;
	[sflag:s12] =	ssyncadd.s32 $0xFFFFFF80  }
0x19: {  	[tilespmem:s13], [sflag:$0x2] =	stream.linear.gather [hbm4b:s31+s4], $0x80, $0x38;
	[tilespmem:$0x17D00] =	vst v63  }
0x1a: {  	_ =	swait.ge [sflag:s12], $0x80  }
0x1b: {  	[sflag:s12] =	ssyncset.done $0x0  }
0x1c: {  	[sflag:s12] =	ssyncadd.s32 $0xFFFFFF80  }
0x1d: {  	[tilespmem:s14], [sflag:$0x1] =	stream.indirect.gather [hbm4b:s0+s13], $0x80, s4, s13, $0xb8;
	[tilespmem:$0x17D00] =	vst v63  }
0x1e: {  	_ =	swait.ge [sflag:s15], $0x4000  }
0x1f: {  	[sflag:s15] =	ssyncset.done $0x0  }
0x20: {  	[sflag:s15] =	ssyncadd.s32 $0xFFFFC000  }
0x21: {  	[spmem:s3] =	stream.indirect.scatter.add.f32 [tilespmem:s14], [sflag:$0x2], $0x80, s13, s13, $0xb8;
	[tilespmem:$0x17D00] =	vst v63  }
0x22: {  	_ =	swait.ge [sflag:s12], $0x4000  }
0x23: {  	s18 =	simm.s32 $0x20;
	s17 =	simm.s32 $0x10;
	[sflag:s12] =	ssyncset.done $0x0  }
.LBB2_2:
0x24: {  	s19 =	sadd.s32 s17, s10  }
0x25: {  	[sflag:s12] =	ssyncadd.s32 $0xFFFFC000;
	s20 =	smov.u32 s18;
	s21 =	sadd.s32 $0x10, s18  }
0x26: {  	[tilespmem:s4], [sflag:$0x2] =	stream.linear.gather [hbm4b:s19+s4], $0x80, $0x38;
	[tilespmem:$0x17D00] =	vst v63  }
0x27: {  	p0 =	sne.s32 s18, $0x4E0;
	_ =	swait.ge [sflag:s12], $0x80  }
0x28: {  	[sflag:s12] =	ssyncset.done $0x0  }
0x29: {  	s18 =	sadd.s32 s17, s9;
	s17 =	smov.u32 s20;
	[sflag:s12] =	ssyncadd.s32 $0xFFFFFF80  }
0x2a: {  	[tilespmem:s13], [sflag:$0x2] =	stream.linear.gather [hbm4b:s18+s4], $0x80, $0x38;
	[tilespmem:$0x17D00] =	vst v63  }
0x2b: {  	_ =	swait.ge [sflag:s12], $0x80  }
0x2c: {  	[sflag:s12] =	ssyncset.done $0x0  }
0x2d: {  	[sflag:s12] =	ssyncadd.s32 $0xFFFFFF80  }
0x2e: {  	[tilespmem:s14], [sflag:$0x1] =	stream.indirect.gather [hbm4b:s0+s13], $0x80, s4, s13, $0xb8;
	[tilespmem:$0x17D00] =	vst v63  }
0x2f: {  	_ =	swait.ge [sflag:s15], $0x4000  }
.Ltmp0:
0x30: {  	[sflag:s15] =	ssyncset.done $0x0;
	(pc) =	sbr.rel @p0 .LBB2_2-.Ltmp0, $4  }
0x31: {  	[sflag:s15] =	ssyncadd.s32 $0xFFFFC000  }
0x32: {  	[spmem:s3] =	stream.indirect.scatter.add.f32 [tilespmem:s14], [sflag:$0x2], $0x80, s13, s13, $0xb8;
	[tilespmem:$0x17D00] =	vst v63  }
0x33: {  	_ =	swait.ge [sflag:s12], $0x4000  }
0x34: {  	s18 =	smov.u32 s21;
	[sflag:s12] =	ssyncset.done $0x0  }
0x35: {  	s18 =	sadd.s32 s17, s10;
	[sflag:s12] =	ssyncadd.s32 $0xFFFFC000  }
0x36: {  	[tilespmem:s4], [sflag:$0x2] =	stream.linear.gather [hbm4b:s18+s4], $0x80, $0x38;
	[tilespmem:$0x17D00] =	vst v63  }
0x37: {  	_ =	swait.ge [sflag:s12], $0x80  }
0x38: {  	[sflag:s12] =	ssyncset.done $0x0  }
0x39: {  	s31 =	sadd.s32 s17, s9;
	[sflag:s12] =	ssyncadd.s32 $0xFFFFFF80  }
0x3a: {  	[tilespmem:s13], [sflag:$0x2] =	stream.linear.gather [hbm4b:s31+s4], $0x80, $0x38;
	[tilespmem:$0x17D00] =	vst v63  }
0x3b: {  	_ =	swait.ge [sflag:s12], $0x80  }
0x3c: {  	[sflag:s12] =	ssyncset.done $0x0  }
0x3d: {  	[sflag:s12] =	ssyncadd.s32 $0xFFFFFF80  }
0x3e: {  	[tilespmem:s14], [sflag:$0x1] =	stream.indirect.gather [hbm4b:s0+s13], $0x80, s4, s13, $0xb8;
	[tilespmem:$0x17D00] =	vst v63  }
0x3f: {  	_ =	swait.ge [sflag:s15], $0x4000  }
0x40: {  	[sflag:s15] =	ssyncset.done $0x0  }
0x41: {  	[sflag:s15] =	ssyncadd.s32 $0xFFFFC000  }
0x42: {  	[spmem:s3] =	stream.indirect.scatter.add.f32 [tilespmem:s14], [sflag:$0x2], $0x80, s13, s13, $0xb8;
	[tilespmem:$0x17D00] =	vst v63  }
0x43: {  	_ =	swait.ge [sflag:s12], $0x4000  }
0x44: {  	s16 =	sadd.s32 $0x1, s16;
	[sflag:s12] =	ssyncset.done $0x0  }
0x45: {  	p0 =	sne.s32 s16, s8;
	[sflag:s12] =	ssyncadd.s32 $0xFFFFC000  }
.Ltmp1:
0x46: {  	[bflag:$0x0] =	sbarrier.arrive $0xFFFF;
	(pc) =	sbr.rel @p0 .LBB2_1-.Ltmp1, $4  }
0x47: {  	[hbm:s7], [sflag:s6] =	dma.local [spmem:s11], $0x2780  }
0x48: {  	_ =	swait.ge [sflag:s12], $0x2780  }
0x49: {  	[sflag:s12] =	ssyncset.done $0x0  }
0x4a: {  	[sflag:s12] =	ssyncadd.s32 $0xFFFFD880  }
0x4b: {  	_ =	sfence.sel $0x180000  }
0x4c: {  	[bflag:$0x0] =	sbarrier.arrive $0xFFFF  }
0x4d: {  	p0 =	sne.s32 s2, $0x0;
	_ =	strace $0x90000047  }
0x4e: {  	s0 =	sadd.s32 @!p0 $0x100000, s1;
	[bflag:$0x2] =	sbarrier.arrive $0xFFFF  }
0x4f: {  	[sflag:s0] =	ssyncadd.tile.s32 @!p0 $0x1;
	_ =	shalt  }
.Lfunc_end2:
_tile_overlayer_lowered:
.L_overlay_start_2:
0x50: {  	(tag) =	ssettag $0x2  }
0x51: {  	s0 =	rddreg [dreg:$0x0];
	s2 =	stileid.u32  }
0x52: {  	s1 =	rddreg [dreg:$0x1];
	p0 =	sne.s32 s2, $0x0  }
0x53: {  	s3 =	rddreg [dreg:$0x2];
	[bflag:$0x3] =	sbarrier.arrive $0xFFFF;
	s2 =	simm.s32 @!p0 $0x1C02  }
0x54: {  	[timem:s3], [sflag:s2] =	dma.local @!p0 [hbm:s0], s1  }
0x55: {  	s0 =	simm.s32 @!p0 $0x2  }
0x56: {  	_ =	swait.ge @!p0 [sflag:s0], s1  }
0x57: {  	s1 =	ssub.s32 @!p0 $0x0, s1;
	[sflag:s0] =	ssyncset.done @!p0 $0x0  }
0x58: {  	[sflag:s0] =	ssyncadd.s32 @!p0 s1  }
0x59: {  	[bflag:$0x3] =	sbarrier.arrive $0xFFFF  }
0x5a: {  	_ =	shalt  }

// kernel: kernel.9.cloned.1.call-start
scs
__scs_entry_jumppad:
0x0: {  	(pc) =	sbr.rel $0x88, $3  }
0x1: {  	(tag) =	ssettag $0x0;
	lr =	simm.s32 $0x1  }
0x2: {  	[smem:$0x3F8E] =	sst lr;
	_ =	strace $0xD0000000  }
0x3: {  	_ = 	snop  }
0x4: {  	_ = 	snop  }
0x5: {  	_ = 	snop  }
0x6: {  	_ = 	snop  }
0x7: {  	_ = 	snop  }
__scs_overlays_trampoline_lowered:
0x8: {  	[smem:$0x3F9D] =	sst s0  }
0x9: {  	[smem:$0x3F9E] =	sst s1  }
0xa: {  	[smem:$0x3F9F] =	sst s2  }
0xb: {  	[smem:$0x3FA0] =	sst s3  }
0xc: {  	[smem:$0x3FA1] =	sst s4  }
0xd: {  	[smem:$0x3FA2] =	sst s5  }
0xe: {  	[smem:$0x3FA3] =	sst s6  }
0xf: {  	[smem:$0x3FA4] =	sst s7  }
0x10: {  	[smem:$0x3FA5] =	sst s8  }
0x11: {  	[smem:$0x3FA6] =	sst s9;
	s0 =	simm.s32 @!p0 $0x0  }
0x12: {  	s1 =	sld [smem:$0x3F8C];
	s0 =	simm.s32 @p0 $0x1  }
0x13: {  	[smem:$0x3FA7] =	sst s0;
	s0 =	simm.s32 @!p1 $0x0  }
0x14: {  	s2 =	sld [smem:$0x3F8B];
	s0 =	simm.s32 @p1 $0x1  }
0x15: {  	[smem:$0x3FA8] =	sst s0;
	s0 =	simm.s32 @!p2 $0x0  }
0x16: {  	s3 =	sld [smem:$0x3FDB];
	s0 =	simm.s32 @p2 $0x1  }
0x17: {  	s4 =	simm.s32 $0x1BF5;
	[smem:$0x3FAA] =	sst s0  }
0x18: {  	s0 =	sld [smem:$0x3F8D];
	_ =	swait.ge [sflag:s4], $0x0  }
0x19: {  	s7 =	sld [smem:$0x3F8E]  }
0x1a: {  	s8 =	sadd.s32 $0xFFFFE003, lr  }
0x1b: {  	s9 =	sadd.s32 $0xFFFFFEF7, lr;
	s5 =	simm.s32 $0xFFFFFFFF;
	p2 =	slt.u32 s8, $0xFFFFF086  }
0x1c: {  	p1 =	slt.u32 s9, $0xF7A;
	s5 =	simm.s32 @!p2 $0x0  }
0x1d: {  	s5 =	simm.s32 @p1 $0x1;
	p0 =	seq.s32 s7, s2  }
0x1e: {  	s7 =	smul.u32 @!p0 $0xF7A, s2;
	p2 =	seq.s32 @!p0 s5, $0x0  }
0x1f: {  	s9 =	smul.u32 $0xF7A, s1;
	s8 =	simm.s32 @!p0 $0x1BF5;
	p2 =	por !p2, p0  }
0x20: {  	[sflag:s8] =	ssyncset.s32 @!p0 $0xFFFFF086;
	s6 =	sadd.s32 @!p0 s3, s7;
	s7 =	simm.s32 @!p0 $0x108  }
0x21: {  	s3 =	sadd.s32 s3, s9;
	s6 =	sadd.s32 @!p0 $0x88, s6;
	s7 =	simm.s32 @p2 $0x1082  }
0x22: {  	[simem:s7], [sflag:s8] =	dma.local @!p0 [hbm:s6], $0xF7A  }
0x23: {  	s9 =	sor.u32 $0xD0000000, s2;
	s6 =	simm.s32 $0x108;
	_ =	swait.ge @!p0 [sflag:s8], $0x0  }
0x24: {  	s3 =	sadd.s32 $0x88, s3;
	s6 =	simm.s32 @!p1 $0x1082;
	[sflag:s4] =	ssyncset.s32 $0xFFFFF086  }
0x25: {  	[simem:s6], [sflag:s4] =	dma.local [hbm:s3], $0xF7A  }
0x26: {  	[smem:$0x3F8E] =	sst s1;
	(tag) =	ssettag s2;
	_ =	strace s9  }
0x27: {  	s1 =	sld [smem:$0x3F9E]  }
0x28: {  	s2 =	sld [smem:$0x3F9F]  }
0x29: {  	s4 =	sld [smem:$0x3FA1]  }
0x2a: {  	p0 =	seq.s32 s5, $0x0;
	s5 =	sld [smem:$0x3FA2]  }
0x2b: {  	s6 =	sld [smem:$0x3FA3]  }
0x2c: {  	s7 =	sld [smem:$0x3FA4]  }
0x2d: {  	s3 =	simm.s32 $0x108;
	s8 =	sld [smem:$0x3FA5]  }
0x2e: {  	s3 =	simm.s32 @!p0 $0x1082;
	s9 =	sld [smem:$0x3FA6]  }
0x2f: {  	lr =	sadd.s32 s0, s3;
	s0 =	sld [smem:$0x3F9D]  }
0x30: {  	s3 =	sld [smem:$0x3FA0]  }
0x31: {  	[smem:$0x3FA9] =	sst s10  }
0x32: {  	s10 =	sld [smem:$0x3FA7];
	_ =	sdelay $0x3  }
0x33: {  	p0 =	seq.s32 s10, $0x1;
	s10 =	sld [smem:$0x3FA9];
	_ =	sdelay $0x3  }
0x34: {  	[smem:$0x3FA9] =	sst s10  }
0x35: {  	s10 =	sld [smem:$0x3FA8];
	_ =	sdelay $0x3  }
0x36: {  	p1 =	seq.s32 s10, $0x1;
	s10 =	sld [smem:$0x3FA9];
	_ =	sdelay $0x3  }
0x37: {  	[smem:$0x3FA9] =	sst s10  }
0x38: {  	s10 =	sld [smem:$0x3FAA]  }
0x39: {  	_ = 	snop;
	(pc) =	sbr.ind lr, $3  }
0x3a: {  	_ = 	snop  }
0x3b: {  	_ = 	snop  }
0x3c: {  	p2 =	seq.s32 s10, $0x1;
	s10 =	sld [smem:$0x3FA9]  }
0x3d: {  	_ =	shalt  }
0x3e: {  	_ =	shalt  }
0x3f: {  	_ =	shalt  }
0x40: {  	_ =	shalt  }
0x41: {  	_ =	shalt  }
0x42: {  	_ =	shalt  }
0x43: {  	_ =	shalt  }
0x44: {  	_ =	shalt  }
0x45: {  	_ =	shalt  }
0x46: {  	_ =	shalt  }
0x47: {  	_ =	shalt  }
0x48: {  	_ =	shalt  }
0x49: {  	_ =	shalt  }
0x4a: {  	_ =	shalt  }
0x4b: {  	_ =	shalt  }
0x4c: {  	_ =	shalt  }
0x4d: {  	_ =	shalt  }
0x4e: {  	_ =	shalt  }
0x4f: {  	_ =	shalt  }
0x50: {  	_ =	shalt  }
0x51: {  	_ =	shalt  }
0x52: {  	_ =	shalt  }
0x53: {  	_ =	shalt  }
0x54: {  	_ =	shalt  }
0x55: {  	_ =	shalt  }
0x56: {  	_ =	shalt  }
0x57: {  	_ =	shalt  }
0x58: {  	_ =	shalt  }
0x59: {  	_ =	shalt  }
0x5a: {  	_ =	shalt  }
0x5b: {  	_ =	shalt  }
0x5c: {  	_ =	shalt  }
0x5d: {  	_ =	shalt  }
0x5e: {  	_ =	shalt  }
0x5f: {  	_ =	shalt  }
0x60: {  	_ =	shalt  }
0x61: {  	_ =	shalt  }
0x62: {  	_ =	shalt  }
0x63: {  	_ =	shalt  }
0x64: {  	_ =	shalt  }
0x65: {  	_ =	shalt  }
0x66: {  	_ =	shalt  }
0x67: {  	_ =	shalt  }
0x68: {  	_ =	shalt  }
0x69: {  	_ =	shalt  }
0x6a: {  	_ =	shalt  }
0x6b: {  	_ =	shalt  }
0x6c: {  	_ =	shalt  }
0x6d: {  	_ =	shalt  }
0x6e: {  	_ =	shalt  }
0x6f: {  	_ =	shalt  }
0x70: {  	_ =	shalt  }
0x71: {  	_ =	shalt  }
0x72: {  	_ =	shalt  }
0x73: {  	_ =	shalt  }
0x74: {  	_ =	shalt  }
0x75: {  	_ =	shalt  }
0x76: {  	_ =	shalt  }
0x77: {  	_ =	shalt  }
0x78: {  	_ =	shalt  }
0x79: {  	_ =	shalt  }
0x7a: {  	_ =	shalt  }
0x7b: {  	_ =	shalt  }
0x7c: {  	_ =	shalt  }
0x7d: {  	_ =	shalt  }
0x7e: {  	_ =	shalt  }
0x7f: {  	_ =	shalt  }
0x80: {  	_ =	shalt  }
0x81: {  	_ =	shalt  }
0x82: {  	_ =	shalt  }
0x83: {  	_ =	shalt  }
0x84: {  	_ =	shalt  }
0x85: {  	_ =	shalt  }
0x86: {  	_ =	shalt  }
0x87: {  	_ =	shalt  }
.Lfunc_end0:
.L_simem_size_0:
called_computation.1_lowered:
.L_overlay_start_0:
0x88: {  	s2 =	sld [smem:$0x3FD9]  }
0x89: {  	s3 =	sld [smem:$0x3FFE];
	_ =	sdelay $0x1  }
0x8a: {  	s1 =	srdreg.scid  }
0x8b: {  	s0 =	sand.u32 $0x1, s1  }
0x8c: {  	s14 =	sshll.u32 s0, $0xA;
	s2 =	sadd.s32 s3, s2  }
0x8d: {  	s2 =	sadd.s32 s2, s14  }
0x8e: {  	[smem:$0x3FB5] =	sst s2  }
0x8f: {  	_ = 	snop  }
0x90: {  	s2 =	sld [smem:$0x3FD0];
	_ =	sdelay $0x2  }
0x91: {  	s15 =	simm.s32 $0xA;
	s4 =	simm.s32 $0x10  }
0x92: {  	[smem:s4], [sflag:s15] =	dma.local [hbm:s2], $0x1  }
0x93: {  	_ =	swait.eq [sflag:s15], $0x1  }
0x94: {  	[sflag:s15] =	ssyncset.done $0x0  }
0x95: {  	[sflag:s15] =	ssyncadd.s32 $0xFFFFFFFF  }
0x96: {  	s16 =	sld [smem:$0x10];
	(tm) =	ssettm $0x1  }
0x97: {  	s17 =	sld [smem:$0x3FFB];
	_ =	sdelay $0x3  }
0x98: {  	_ =	strace s17  }
0x99: {  	s3 =	sld [smem:$0x3FFC];
	_ =	sdelay $0x3  }
0x9a: {  	_ =	strace s3  }
0x9b: {  	s3 =	sld [smem:$0x3FFD];
	_ =	sdelay $0x3  }
0x9c: {  	_ =	strace s3  }
0x9d: {  	_ =	strace $0x8FFFFFFF  }
0x9e: {  	s18 =	sld [smem:$0x3FDB];
	_ =	sdelay $0x1  }
0x9f: {  	s19 =	simm.s32 $_scs_section_size  }
0xa0: {  	s5 =	simm.s32 $_size__tile_overlayer_lowered;
	s6 =	simm.s32 $_tile_overlayer_lowered  }
0xa1: {  	s22 =	simm.s32 $0x1BFF;
	s21 =	sshll.u32 s6, $0x1;
	s3 =	sadd.s32 s19, s18  }
0xa2: {  	s7 =	simm.s32 $0x0;
	s20 =	sshll.u32 s5, $0x1;
	s5 =	sadd.s32 s21, s3  }
0xa3: {  	[timem:s7], [sflag:s22] =	dma.local [hbm:s5], s20  }
0xa4: {  	_ =	swait.ge [sflag:s22], s20  }
0xa5: {  	s4 =	ssub.s32 $0x0, s20;
	[sflag:s22] =	ssyncset.done $0x0  }
0xa6: {  	[sflag:s22] =	ssyncadd.s32 s4;
	_ =	sdelay $0x1  }
0xa7: {  	s23 =	simm.s32 $0x1B8B  }
0xa8: {  	_ =	swait.ge [sflag:s23], $0x1  }
0xa9: {  	[sflag:s23] =	ssyncset.done $0x0  }
0xaa: {  	s25 =	simm.s32 $0x1B8E;
	s24 =	sld [smem:$0x3FFE];
	[sflag:s23] =	ssyncadd.s32 $0xFFFFFFFF  }
0xab: {  	s26 =	simm.s32 $execute0_lowered;
	[smem:$0x3FD2] =	sst s25  }
0xac: {  	s5 =	sshll.u32 s26, $0x1;
	_ =	strace $0x80000049;
	[dreg:$0x1] =	wrdreg $0xFFFFFFFF  }
0xad: {  	s28 =	simm.s32 $_size_execute0_lowered;
	s3 =	sadd.s32 s3, s5;
	[dreg:$0x0] =	wrdreg $0x0  }
0xae: {  	s5 =	sshll.u32 s28, $0x1;
	[dreg:$0x2] =	wrdreg s3  }
0xaf: {  	[dreg:$0x3] =	wrdreg s5  }
0xb0: {  	[dreg:$0x4] =	wrdreg $0xC0  }
0xb1: {  	_ =	task [dreg:s7], $0x5FFFF  }
0xb2: {  	[dreg:$0x1] =	wrdreg $0xFFFFFFFF  }
0xb3: {  	[dreg:$0x0] =	wrdreg $0x60  }
0xb4: {  	[dreg:$0x2] =	wrdreg s16  }
0xb5: {  	[dreg:$0x3] =	wrdreg s24  }
0xb6: {  	[dreg:$0x4] =	wrdreg $0x41000  }
0xb7: {  	[dreg:$0x5] =	wrdreg $0x9  }
0xb8: {  	_ =	task.clear_ibuf [dreg:s7], $0x6FFFF;
	_ =	strace $0x90000049  }
0xb9: {  	s29 =	simm.s32 $0x9;
	_ =	strace $0x8000004B  }
0xba: {  	_ =	swait.ge [sflag:s29], $0x1  }
0xbb: {  	[sflag:s29] =	ssyncadd.s32 $0xFFFFFFFF  }
0xbc: {  	_ =	strace $0x9000004B  }
0xbd: {  	_ =	sfence  }
0xbe: {  	s30 =	sld [smem:$0x0];
	_ =	sdelay $0x2  }
0xbf: {  	s31 =	sshll.u32 s1, $0xD;
	s1 =	sshrl.u32 s1, $0x2  }
0xc0: {  	s3 =	sand.u32 $0x4000, s31;
	s1 =	sadd.s32 s1, s30  }
0xc1: {  	s0 =	sor.u32 s3, s0;
	s1 =	sshll.u32 s1, $0x11  }
0xc2: {  	s0 =	sor.u32 s1, s0  }
0xc3: {  	s0 =	sadd.s32 $0x8F2B, s0  }
0xc4: {  	[sflag:s0] =	ssyncadd.remote.s32 $0x1  }
0xc5: {  	_ =	sfence.sel $0xFFFF  }
0xc6: {  	[dreg:$0x0] =	wrdreg $0xFFFFFFFF;
	(pc) =	sbr.abs _section_cstart, $3  }
0xc7: {  	[dreg:$0x1] =	wrdreg $0xFFFFFFFF  }
0xc8: {  	_ =	task.clear_ibuf [dreg:s7], $0x2FFFF;
	_ =	strace $0x9FFFFFFF  }
0xc9: {  	(tm) =	ssettm $0x7FFFFFFF  }
tec
execute0_lowered:
.L_overlay_start_1:
0x0: {  	(tag) =	ssettag $0x1  }
0x1: {  	s0 =	rddreg [dreg:$0x0]  }
0x2: {  	s5 =	rddreg [dreg:$0x1]  }
0x3: {  	s1 =	srdreg.scid;
	s2 =	stileid.u32  }
0x4: {  	s3 =	rddreg [dreg:$0x2];
	s4 =	simm.s32 $0x0;
	s8 =	smul.u32 $0x13C00, s2  }
0x5: {  	s13 =	simm.s32 $0x80;
	s14 =	simm.s32 $0x100;
	s26 =	smul.u32 $0x4F000, s2  }
0x6: {  	s15 =	simm.s32 $0x1;
	s6 =	sand.u32 $0x1, s1;
	s30 =	smul.u32 $0x4F0, s2  }
0x7: {  	s16 =	simm.s32 $0x0;
	s1 =	rddreg [dreg:$0x3];
	s7 =	smul.u32 $0x4F00, s6  }
0x8: {  	[smem:$0x7FF] =	sst s4;
	s31 =	sshll.u32 s2, $0x6;
	s9 =	smul.u32 $0x13C000, s6  }
0x9: {  	_ =	strace $0x8000004A;
	s6 =	ssub.s32 $0x2, s6;
	s25 =	sshrl.u32 s8, $0x3  }
0xa: {  	s28 =	sshrl.u32 s6, $0x1;
	s29 =	sshrl.u32 s26, $0x2;
	s10 =	sadd.s32 s7, s5  }
0xb: {  	s8 =	sadd.s32 s8, s9;
	s7 =	sadd.s32 s25, s5;
	s11 =	ssub.s32 s6, s28  }
0xc: {  	s12 =	sadd.s32 s29, s3;
	s6 =	sor.u32 $0x1C02, s31;
	s8 =	sshrl.u32 s8, $0x3  }
0xd: {  	s10 =	sadd.s32 s30, s10;
	s8 =	sadd.s32 s8, s5;
	s5 =	sadd.s32 $0x17000, s7  }
0xe: {  	s9 =	sadd.s32 $0xD200, s10;
	s10 =	sadd.s32 $0x3400, s10;
	s7 =	sadd.s32 $0x3E800, s8  }
0xf: {  	s8 =	smax.u32 s11, $0x1;
	s11 =	sshrl.u32 s12, $0x3;
	s12 =	simm.s32 $0x2  }
.LBB2_1:
0x10: {  	[spmem:s11], [sflag:s6] =	dma.local [hbm:s5], $0x2780  }
0x11: {  	_ =	swait.ge [sflag:s12], $0x2780  }
0x12: {  	[sflag:s12] =	ssyncset.done $0x0  }
0x13: {  	[sflag:s12] =	ssyncadd.s32 $0xFFFFD880  }
0x14: {  	s17 =	sadd.s32 $0x0, s10;
	[bflag:$0x0] =	sbarrier.arrive $0xFFFF  }
0x15: {  	[tilespmem:s4], [sflag:$0x2] =	stream.linear.gather [hbm4b:s17+s4], $0x80, $0x38;
	[tilespmem:$0x17D00] =	vst v63  }
0x16: {  	_ =	swait.ge [sflag:s12], $0x80  }
0x17: {  	[sflag:s12] =	ssyncset.done $0x0  }
0x18: {  	s31 =	sadd.s32 $0x0, s9;
	[sflag:s12] =	ssyncadd.s32 $0xFFFFFF80  }
0x19: {  	[tilespmem:s13], [sflag:$0x2] =	stream.linear.gather [hbm4b:s31+s4], $0x80, $0x38;
	[tilespmem:$0x17D00] =	vst v63  }
0x1a: {  	_ =	swait.ge [sflag:s12], $0x80  }
0x1b: {  	[sflag:s12] =	ssyncset.done $0x0  }
0x1c: {  	[sflag:s12] =	ssyncadd.s32 $0xFFFFFF80  }
0x1d: {  	[tilespmem:s14], [sflag:$0x1] =	stream.indirect.gather [hbm4b:s0+s13], $0x80, s4, s13, $0xb8;
	[tilespmem:$0x17D00] =	vst v63  }
0x1e: {  	_ =	swait.ge [sflag:s15], $0x4000  }
0x1f: {  	[sflag:s15] =	ssyncset.done $0x0  }
0x20: {  	[sflag:s15] =	ssyncadd.s32 $0xFFFFC000  }
0x21: {  	[spmem:s3] =	stream.indirect.scatter.add.f32 [tilespmem:s14], [sflag:$0x2], $0x80, s13, s13, $0xb8;
	[tilespmem:$0x17D00] =	vst v63  }
0x22: {  	_ =	swait.ge [sflag:s12], $0x4000  }
0x23: {  	s18 =	simm.s32 $0x20;
	s17 =	simm.s32 $0x10;
	[sflag:s12] =	ssyncset.done $0x0  }
.LBB2_2:
0x24: {  	s19 =	sadd.s32 s17, s10  }
0x25: {  	[sflag:s12] =	ssyncadd.s32 $0xFFFFC000;
	s20 =	smov.u32 s18;
	s21 =	sadd.s32 $0x10, s18  }
0x26: {  	[tilespmem:s4], [sflag:$0x2] =	stream.linear.gather [hbm4b:s19+s4], $0x80, $0x38;
	[tilespmem:$0x17D00] =	vst v63  }
0x27: {  	p0 =	sne.s32 s18, $0x4E0;
	_ =	swait.ge [sflag:s12], $0x80  }
0x28: {  	[sflag:s12] =	ssyncset.done $0x0  }
0x29: {  	s18 =	sadd.s32 s17, s9;
	s17 =	smov.u32 s20;
	[sflag:s12] =	ssyncadd.s32 $0xFFFFFF80  }
0x2a: {  	[tilespmem:s13], [sflag:$0x2] =	stream.linear.gather [hbm4b:s18+s4], $0x80, $0x38;
	[tilespmem:$0x17D00] =	vst v63  }
0x2b: {  	_ =	swait.ge [sflag:s12], $0x80  }
0x2c: {  	[sflag:s12] =	ssyncset.done $0x0  }
0x2d: {  	[sflag:s12] =	ssyncadd.s32 $0xFFFFFF80  }
0x2e: {  	[tilespmem:s14], [sflag:$0x1] =	stream.indirect.gather [hbm4b:s0+s13], $0x80, s4, s13, $0xb8;
	[tilespmem:$0x17D00] =	vst v63  }
0x2f: {  	_ =	swait.ge [sflag:s15], $0x4000  }
.Ltmp0:
0x30: {  	[sflag:s15] =	ssyncset.done $0x0;
	(pc) =	sbr.rel @p0 .LBB2_2-.Ltmp0, $4  }
0x31: {  	[sflag:s15] =	ssyncadd.s32 $0xFFFFC000  }
0x32: {  	[spmem:s3] =	stream.indirect.scatter.add.f32 [tilespmem:s14], [sflag:$0x2], $0x80, s13, s13, $0xb8;
	[tilespmem:$0x17D00] =	vst v63  }
0x33: {  	_ =	swait.ge [sflag:s12], $0x4000  }
0x34: {  	s18 =	smov.u32 s21;
	[sflag:s12] =	ssyncset.done $0x0  }
0x35: {  	s18 =	sadd.s32 s17, s10;
	[sflag:s12] =	ssyncadd.s32 $0xFFFFC000  }
0x36: {  	[tilespmem:s4], [sflag:$0x2] =	stream.linear.gather [hbm4b:s18+s4], $0x80, $0x38;
	[tilespmem:$0x17D00] =	vst v63  }
0x37: {  	_ =	swait.ge [sflag:s12], $0x80  }
0x38: {  	[sflag:s12] =	ssyncset.done $0x0  }
0x39: {  	s31 =	sadd.s32 s17, s9;
	[sflag:s12] =	ssyncadd.s32 $0xFFFFFF80  }
0x3a: {  	[tilespmem:s13], [sflag:$0x2] =	stream.linear.gather [hbm4b:s31+s4], $0x80, $0x38;
	[tilespmem:$0x17D00] =	vst v63  }
0x3b: {  	_ =	swait.ge [sflag:s12], $0x80  }
0x3c: {  	[sflag:s12] =	ssyncset.done $0x0  }
0x3d: {  	[sflag:s12] =	ssyncadd.s32 $0xFFFFFF80  }
0x3e: {  	[tilespmem:s14], [sflag:$0x1] =	stream.indirect.gather [hbm4b:s0+s13], $0x80, s4, s13, $0xb8;
	[tilespmem:$0x17D00] =	vst v63  }
0x3f: {  	_ =	swait.ge [sflag:s15], $0x4000  }
0x40: {  	[sflag:s15] =	ssyncset.done $0x0  }
0x41: {  	[sflag:s15] =	ssyncadd.s32 $0xFFFFC000  }
0x42: {  	[spmem:s3] =	stream.indirect.scatter.add.f32 [tilespmem:s14], [sflag:$0x2], $0x80, s13, s13, $0xb8;
	[tilespmem:$0x17D00] =	vst v63  }
0x43: {  	_ =	swait.ge [sflag:s12], $0x4000  }
0x44: {  	s16 =	sadd.s32 $0x1, s16;
	[sflag:s12] =	ssyncset.done $0x0  }
0x45: {  	p0 =	sne.s32 s16, s8;
	[sflag:s12] =	ssyncadd.s32 $0xFFFFC000  }
.Ltmp1:
0x46: {  	[bflag:$0x0] =	sbarrier.arrive $0xFFFF;
	(pc) =	sbr.rel @p0 .LBB2_1-.Ltmp1, $4  }
0x47: {  	[hbm:s7], [sflag:s6] =	dma.local [spmem:s11], $0x2780  }
0x48: {  	_ =	swait.ge [sflag:s12], $0x2780  }
0x49: {  	[sflag:s12] =	ssyncset.done $0x0  }
0x4a: {  	[sflag:s12] =	ssyncadd.s32 $0xFFFFD880  }
0x4b: {  	_ =	sfence.sel $0x180000  }
0x4c: {  	[bflag:$0x0] =	sbarrier.arrive $0xFFFF  }
0x4d: {  	p0 =	sne.s32 s2, $0x0;
	_ =	strace $0x9000004A  }
0x4e: {  	s0 =	sadd.s32 @!p0 $0x100000, s1;
	[bflag:$0x2] =	sbarrier.arrive $0xFFFF  }
0x4f: {  	[sflag:s0] =	ssyncadd.tile.s32 @!p0 $0x1;
	_ =	shalt  }
.Lfunc_end2:
_tile_overlayer_lowered:
.L_overlay_start_2:
0x50: {  	(tag) =	ssettag $0x2  }
0x51: {  	s0 =	rddreg [dreg:$0x0];
	s2 =	stileid.u32  }
0x52: {  	s1 =	rddreg [dreg:$0x1];
	p0 =	sne.s32 s2, $0x0  }
0x53: {  	s3 =	rddreg [dreg:$0x2];
	[bflag:$0x3] =	sbarrier.arrive $0xFFFF;
	s2 =	simm.s32 @!p0 $0x1C02  }
0x54: {  	[timem:s3], [sflag:s2] =	dma.local @!p0 [hbm:s0], s1  }
0x55: {  	s0 =	simm.s32 @!p0 $0x2  }
0x56: {  	_ =	swait.ge @!p0 [sflag:s0], s1  }
0x57: {  	s1 =	ssub.s32 @!p0 $0x0, s1;
	[sflag:s0] =	ssyncset.done @!p0 $0x0  }
0x58: {  	[sflag:s0] =	ssyncadd.s32 @!p0 s1  }
0x59: {  	[bflag:$0x3] =	sbarrier.arrive $0xFFFF  }
0x5a: {  	_ =	shalt  }

</sc_bundles>
